<compile_context>
chip_gen: v7x
topology: tpu7x:2x2x1
jax: 0.10.2.dev20260603
libtpu: 0.0.44.dev20260713+nightly
codegen_flags: <defaults>
</compile_context>

<pallas_src>
import functools

import jax
import jax.numpy as jnp
from jax import lax
from jax.experimental import pallas as pl
from jax.experimental.pallas import tpu as pltpu
from jax.experimental.pallas import tpu_sc as plsc

B, S, D, E, DFF, TOPK = 2, 2048, 768, 8, 768, 2
T = B * S
TILE = 256
G = T * TOPK // TILE + E
P = G * TILE
NEG = -1e30


def _gumbel(n, k):
    u = jax.random.uniform(jax.random.key(42), (n, k), minval=1e-9, maxval=1.0)
    return -jnp.log(-jnp.log(u))


_NOISE_CACHE = None


def _noise():
    global _NOISE_CACHE
    if _NOISE_CACHE is None:
        with jax.ensure_compile_time_eval():
            _NOISE_CACHE = _gumbel(T, E)
    return _NOISE_CACHE


def _route_build_kernel(l_ref, route_ref, te_ref):
    l = l_ref[:]
    iota8 = lax.broadcasted_iota(jnp.int32, (T, E), 1)
    m1 = jnp.max(l, axis=1, keepdims=True)
    a1 = jnp.min(jnp.where(l == m1, iota8, E), axis=1, keepdims=True)
    l2 = jnp.where(iota8 == a1, NEG, l)
    m2 = jnp.max(l2, axis=1, keepdims=True)
    a2 = jnp.min(jnp.where(l2 == m2, iota8, E), axis=1, keepdims=True)
    e21 = jnp.exp(m2 - m1)
    p0 = 1.0 / (1.0 + e21)
    p1 = 1.0 - p0
    hit1 = iota8 == a1
    hit2 = iota8 == a2
    cnt = hit1.astype(jnp.float32) + hit2.astype(jnp.float32)
    BL = 512
    tri = (lax.broadcasted_iota(jnp.int32, (BL, BL), 0)
           > lax.broadcasted_iota(jnp.int32, (BL, BL), 1)).astype(jnp.float32)
    off = jnp.zeros((1, E), jnp.float32)
    blocks = []
    for b in range(T // BL):
        a_b = cnt[b * BL:(b + 1) * BL, :]
        blocks.append(off + jnp.dot(tri, a_b, preferred_element_type=jnp.float32))
        off = off + jnp.sum(a_b, axis=0, keepdims=True)
    C = jnp.concatenate(blocks, axis=0)
    counts = off
    padded = jnp.floor((counts + (TILE - 1)) * (1.0 / TILE)) * TILE
    triT8 = (lax.broadcasted_iota(jnp.int32, (E, E), 0)
             < lax.broadcasted_iota(jnp.int32, (E, E), 1)).astype(jnp.float32)
    seg = jnp.dot(padded, triT8, preferred_element_type=jnp.float32)
    s0 = jnp.sum(jnp.where(hit1, seg, 0.0), axis=1, keepdims=True)
    r0 = jnp.sum(jnp.where(hit1, C, 0.0), axis=1, keepdims=True)
    s1 = jnp.sum(jnp.where(hit2, seg, 0.0), axis=1, keepdims=True)
    r1 = jnp.sum(jnp.where(hit2, C, 0.0), axis=1, keepdims=True)
    pos0 = s0 + r0
    pos1 = s1 + r1
    route_ref[:] = (jnp.where(iota8 == 0, pos0, 0.0)
                    + jnp.where(iota8 == 1, pos1, 0.0)
                    + jnp.where(iota8 == 2, p0, 0.0)
                    + jnp.where(iota8 == 3, p1, 0.0))
    gio = (lax.broadcasted_iota(jnp.int32, (8, 64), 1) * TILE
           ).astype(jnp.float32)
    te = jnp.full((8, 64), -1, jnp.int32)
    for e in range(E):
        lo = seg[0, e]
        hi = lo + padded[0, e]
        te = te + jnp.where((gio >= lo) & (gio < hi), e + 1, 0)
    te_ref[:] = te


def _expert_ffn_kernel(te_ref, xs_ref, w1_ref, b1_ref, w2_ref, b2_ref, ys_ref):
    e = te_ref[pl.program_id(0)]

    @pl.when(e >= 0)
    def _():
        xb = xs_ref[:]
        h = lax.dot_general(xb, w1_ref[0], (((1,), (1,)), ((), ())),
                            preferred_element_type=jnp.float32)
        h = jnp.maximum(h + b1_ref[0], 0.0)
        y = lax.dot_general(h, w2_ref[0], (((1,), (1,)), ((), ())),
                            preferred_element_type=jnp.float32)
        ys_ref[:] = y + b2_ref[0]


def _combine_kernel(r_ref, g0_ref, g1_ref, o_ref):
    r = r_ref[:]
    iota8 = lax.broadcasted_iota(jnp.int32, (r.shape[0], E), 1)
    p0 = jnp.sum(jnp.where(iota8 == 2, r, 0.0), axis=1, keepdims=True)
    p1 = jnp.sum(jnp.where(iota8 == 3, r, 0.0), axis=1, keepdims=True)
    o_ref[:] = p0 * g0_ref[:] + p1 * g1_ref[:]


def _make_sc_kernels():
    info = plsc.get_sparse_core_info()
    NC, NS = info.num_cores, info.num_subcores
    NW = NC * NS
    TPW = T // NW
    mesh = plsc.VectorSubcoreMesh(core_axis_name="c", subcore_axis_name="s")

    @functools.partial(
        pl.kernel, mesh=mesh,
        out_type=jax.ShapeDtypeStruct((P, D), jnp.float32),
        scratch_types=[
            pltpu.VMEM((TPW, D), jnp.float32),
            pltpu.VMEM((TPW,), jnp.int32),
            pltpu.VMEM((TPW,), jnp.int32),
            pltpu.SemaphoreType.DMA,
            pltpu.SemaphoreType.DMA,
        ])
    def dispatch(x_hbm, i0_hbm, i1_hbm, xs_hbm, xbuf, i0, i1, s0, s1):
        wid = lax.axis_index("s") * NC + lax.axis_index("c")
        base = wid * TPW
        pltpu.sync_copy(x_hbm.at[pl.ds(base, TPW)], xbuf)
        pltpu.sync_copy(i0_hbm.at[pl.ds(base, TPW)], i0)
        pltpu.sync_copy(i1_hbm.at[pl.ds(base, TPW)], i1)
        c0 = pltpu.async_copy(xbuf, xs_hbm.at[i0], s0)
        c1 = pltpu.async_copy(xbuf, xs_hbm.at[i1], s1)
        c0.wait()
        c1.wait()

    CH = 64

    @functools.partial(
        pl.kernel, mesh=mesh,
        out_type=[jax.ShapeDtypeStruct((T, D), jnp.float32),
                  jax.ShapeDtypeStruct((T, D), jnp.float32)],
        scratch_types=[
            pltpu.VMEM((CH, D), jnp.float32),
            pltpu.VMEM((CH, D), jnp.float32),
            pltpu.VMEM((CH,), jnp.int32),
            pltpu.VMEM((CH,), jnp.int32),
            pltpu.SemaphoreType.DMA,
            pltpu.SemaphoreType.DMA,
        ])
    def collect(ys_hbm, i0_hbm, i1_hbm, g0_hbm, g1_hbm, b0, b1, i0, i1, s0, s1):
        wid = lax.axis_index("s") * NC + lax.axis_index("c")
        for c in range(TPW // CH):
            cb = wid * TPW + c * CH
            pltpu.sync_copy(i0_hbm.at[pl.ds(cb, CH)], i0)
            pltpu.sync_copy(i1_hbm.at[pl.ds(cb, CH)], i1)
            c0 = pltpu.async_copy(ys_hbm.at[i0], b0, s0)
            c1 = pltpu.async_copy(ys_hbm.at[i1], b1, s1)
            c0.wait()
            c1.wait()
            pltpu.sync_copy(b0, g0_hbm.at[pl.ds(cb, CH)])
            pltpu.sync_copy(b1, g1_hbm.at[pl.ds(cb, CH)])

    return dispatch, collect


def kernel(x, W_r, W1, b1, W2, b2):
    x_sq = x.reshape(T, D)
    gate_logits = x_sq @ W_r.T
    route, te64 = pl.pallas_call(
        _route_build_kernel,
        out_shape=[jax.ShapeDtypeStruct((T, E), jnp.float32),
                   jax.ShapeDtypeStruct((8, 64), jnp.int32)],
    )(gate_logits)
    pos0 = route[:, 0].astype(jnp.int32)
    pos1 = route[:, 1].astype(jnp.int32)
    te = te64[0, :G]
    dispatch, collect = _make_sc_kernels()
    xs = dispatch(x_sq, pos0, pos1)
    grid_spec = pltpu.PrefetchScalarGridSpec(
        num_scalar_prefetch=1,
        grid=(G,),
        in_specs=[
            pl.BlockSpec((TILE, D), lambda g, te: (g, 0)),
            pl.BlockSpec((1, DFF, D), lambda g, te: (jnp.maximum(te[g], 0), 0, 0)),
            pl.BlockSpec((1, 1, DFF), lambda g, te: (jnp.maximum(te[g], 0), 0, 0)),
            pl.BlockSpec((1, D, DFF), lambda g, te: (jnp.maximum(te[g], 0), 0, 0)),
            pl.BlockSpec((1, 1, D), lambda g, te: (jnp.maximum(te[g], 0), 0, 0)),
        ],
        out_specs=pl.BlockSpec((TILE, D), lambda g, te: (g, 0)),
    )
    ys = pl.pallas_call(
        _expert_ffn_kernel,
        grid_spec=grid_spec,
        out_shape=jax.ShapeDtypeStruct((P, D), jnp.float32),
    )(te, xs, W1, b1.reshape(E, 1, DFF), W2, b2.reshape(E, 1, D))
    g0, g1 = collect(ys, pos0, pos1)
    out = pl.pallas_call(
        _combine_kernel,
        grid=(T // 512,),
        in_specs=[
            pl.BlockSpec((512, E), lambda i: (i, 0)),
            pl.BlockSpec((512, D), lambda i: (i, 0)),
            pl.BlockSpec((512, D), lambda i: (i, 0)),
        ],
        out_specs=pl.BlockSpec((512, D), lambda i: (i, 0)),
        out_shape=jax.ShapeDtypeStruct((T, D), jnp.float32),
    )(route, g0, g1)
    return out.reshape(B, S, D)

# --- scband reference (transcript-rebuilt; emitter-appended) ---
"""Pipeline reference for scband-mo-e-67997922231059 (READ-ONLY COPY).

The authoritative reference and input builder live on the scoring server;
editing this copy changes nothing except your own understanding.
"""

import jax, jax.numpy as jnp
import numpy as np

B, S, D, E, DFF, TOPK = 2, 2048, 768, 8, 768, 2


def setup_inputs(seed: int = 0) -> dict:
    key = jax.random.key(seed)
    ks = jax.random.split(key, 6)
    x = jax.random.normal(ks[0], (B, S, D), dtype=jnp.float32)
    # per-token router: nn.Linear(n_embd, expert_num, bias=False) -> weight [E, D]
    W_r = jax.random.normal(ks[1], (E, D), dtype=jnp.float32) * 0.02
    # experts: Linear(D, DFF) + ReLU + Linear(DFF, D), stacked over E
    W1 = jax.random.normal(ks[2], (E, DFF, D), dtype=jnp.float32) * 0.02
    b1 = jnp.zeros((E, DFF), dtype=jnp.float32)
    W2 = jax.random.normal(ks[3], (E, D, DFF), dtype=jnp.float32) * 0.02
    b2 = jnp.zeros((E, D), dtype=jnp.float32)
    return {"x": x, "W_r": W_r, "W1": W1, "b1": b1, "W2": W2, "b2": b2}


def _gumbel_noise(n, k):
    # deterministic stand-in for torch gumbel_noise(n, k)
    u = jax.random.uniform(jax.random.key(42), (n, k), minval=1e-9, maxval=1.0)
    return -jnp.log(-jnp.log(u))


def reference(x, W_r, W1, b1, W2, b2):
    T = x.shape[0] * x.shape[1]
    d = x.shape[-1]
    x_sq = x.reshape(T, d)
    # gate_logits = self.per_token_router(x_squashed) + perturbation
    gate_logits = x_sq @ W_r.T + _gumbel_noise(T, E)
    # topk_exp > 1 path: topk then softmax over selected weights
    weights, selected_experts = jax.lax.top_k(gate_logits, TOPK)
    weights = jax.nn.softmax(weights.astype(jnp.float32), axis=1).astype(x.dtype)
    results = jnp.zeros_like(x_sq)
    for i in range(E):
        # mask-based equivalent of torch.where(selected_experts == i) dispatch:
        # tokens not routed to expert i get gate coefficient 0.
        gate = jnp.sum(jnp.where(selected_experts == i, weights, 0.0), axis=1)
        h = jax.nn.relu(x_sq @ W1[i].T + b1[i])
        out_i = h @ W2[i].T + b2[i]
        results = results + gate[:, None] * out_i
    return results.reshape(x.shape)

if __name__ == "__main__":
    import jax
    _d = setup_inputs()
    print(jax.jit(kernel)(*tuple(_d.values())))

</pallas_src>

<mosaic_0001>
#map = affine_map<(d0, d1) -> (0, 0)>
#map1 = affine_map<(d0, d1) -> (0)>
module attributes {stable_mosaic.version = 14 : i64} {
  func.func @dispatch(%arg0: i32, %arg1: i32, %arg2: memref<4096x768xf32, #tpu.memory_space<hbm>>, %arg3: memref<4096xi32, #tpu.memory_space<hbm>>, %arg4: memref<4096xi32, #tpu.memory_space<hbm>>, %arg5: memref<10240x768xf32, #tpu.memory_space<hbm>>, %arg6: memref<128x768xf32, #tpu.memory_space<vmem>>, %arg7: memref<128xi32, #tpu.memory_space<vmem>>, %arg8: memref<128xi32, #tpu.memory_space<vmem>>, %arg9: memref<!tpu.dma_semaphore, #tpu.memory_space<semaphore_mem>>, %arg10: memref<!tpu.dma_semaphore, #tpu.memory_space<semaphore_mem>>) attributes {dimension_semantics = [#tpu.dimension_semantics<core_parallel>, #tpu.dimension_semantics<subcore_parallel>], iteration_bounds = array<i64: 2, 16>, scalar_prefetch = 0 : i64, scratch_operands = 5 : i64, tpu.core_type = #tpu.core_type<sc_vector_subcore>, window_params = [{transform_indices = #map}, {transform_indices = #map1}, {transform_indices = #map1}, {transform_indices = #map}]} {
    %mul3A = arith.constant 2 : i32
    %mul3A_0 = arith.muli %arg1, %mul3A : i32
    %add3A = arith.addi %mul3A_0, %arg0 : i32
    %mul3A_1 = arith.constant 128 : i32
    %mul3A_2 = arith.muli %add3A, %mul3A_1 : i32
    "tpu.region"() ({
      %run_scoped3A = tpu.sem_alloc : memref<!tpu.dma_semaphore, #tpu.memory_space<semaphore_mem>>
      %dma_start3A_13 = arith.constant 0 : i32
      %dma_start3A_14 = tpu.memref_slice %arg2[%mul3A_2, %dma_start3A_13] : memref<4096x768xf32, #tpu.memory_space<hbm>> -> memref<128x768xf32, #tpu.memory_space<hbm>>
      %dma_start3A_15 = arith.constant 0 : i32
      %dma_start3A_16 = tpu.memref_slice %arg2[%mul3A_2, %dma_start3A_15] : memref<4096x768xf32, #tpu.memory_space<hbm>> -> memref<128x768xf32, #tpu.memory_space<hbm>>
      tpu.enqueue_dma source(%dma_start3A_16 : memref<128x768xf32, #tpu.memory_space<hbm>>) target(%arg6 : memref<128x768xf32, #tpu.memory_space<vmem>>) target_semaphore(%run_scoped3A : memref<!tpu.dma_semaphore, #tpu.memory_space<semaphore_mem>>)
      %dma_wait3A_17 = arith.constant 0 : i32
      %dma_wait3A_18 = tpu.memref_slice %arg2[%mul3A_2, %dma_wait3A_17] : memref<4096x768xf32, #tpu.memory_space<hbm>> -> memref<128x768xf32, #tpu.memory_space<hbm>>
      %dma_wait3A_19 = arith.constant 0 : i32
      %dma_wait3A_20 = tpu.memref_slice %arg2[%mul3A_2, %dma_wait3A_19] : memref<4096x768xf32, #tpu.memory_space<hbm>> -> memref<128x768xf32, #tpu.memory_space<hbm>>
      tpu.wait_dma2 semaphore(%run_scoped3A : memref<!tpu.dma_semaphore, #tpu.memory_space<semaphore_mem>>) src(%dma_wait3A_20 : memref<128x768xf32, #tpu.memory_space<hbm>>) dst(%arg6 : memref<128x768xf32, #tpu.memory_space<vmem>>)
      tpu.yield
    }) : () -> ()
    "tpu.region"() ({
      %run_scoped3A = tpu.sem_alloc : memref<!tpu.dma_semaphore, #tpu.memory_space<semaphore_mem>>
      %dma_start3A_13 = tpu.memref_slice %arg3[%mul3A_2] : memref<4096xi32, #tpu.memory_space<hbm>> -> memref<128xi32, #tpu.memory_space<hbm>>
      %dma_start3A_14 = tpu.memref_slice %arg3[%mul3A_2] : memref<4096xi32, #tpu.memory_space<hbm>> -> memref<128xi32, #tpu.memory_space<hbm>>
      tpu.enqueue_dma source(%dma_start3A_14 : memref<128xi32, #tpu.memory_space<hbm>>) target(%arg7 : memref<128xi32, #tpu.memory_space<vmem>>) target_semaphore(%run_scoped3A : memref<!tpu.dma_semaphore, #tpu.memory_space<semaphore_mem>>)
      %dma_wait3A_15 = tpu.memref_slice %arg3[%mul3A_2] : memref<4096xi32, #tpu.memory_space<hbm>> -> memref<128xi32, #tpu.memory_space<hbm>>
      %dma_wait3A_16 = tpu.memref_slice %arg3[%mul3A_2] : memref<4096xi32, #tpu.memory_space<hbm>> -> memref<128xi32, #tpu.memory_space<hbm>>
      tpu.wait_dma2 semaphore(%run_scoped3A : memref<!tpu.dma_semaphore, #tpu.memory_space<semaphore_mem>>) src(%dma_wait3A_16 : memref<128xi32, #tpu.memory_space<hbm>>) dst(%arg7 : memref<128xi32, #tpu.memory_space<vmem>>)
      tpu.yield
    }) : () -> ()
    "tpu.region"() ({
      %run_scoped3A = tpu.sem_alloc : memref<!tpu.dma_semaphore, #tpu.memory_space<semaphore_mem>>
      %dma_start3A_13 = tpu.memref_slice %arg4[%mul3A_2] : memref<4096xi32, #tpu.memory_space<hbm>> -> memref<128xi32, #tpu.memory_space<hbm>>
      %dma_start3A_14 = tpu.memref_slice %arg4[%mul3A_2] : memref<4096xi32, #tpu.memory_space<hbm>> -> memref<128xi32, #tpu.memory_space<hbm>>
      tpu.enqueue_dma source(%dma_start3A_14 : memref<128xi32, #tpu.memory_space<hbm>>) target(%arg8 : memref<128xi32, #tpu.memory_space<vmem>>) target_semaphore(%run_scoped3A : memref<!tpu.dma_semaphore, #tpu.memory_space<semaphore_mem>>)
      %dma_wait3A_15 = tpu.memref_slice %arg4[%mul3A_2] : memref<4096xi32, #tpu.memory_space<hbm>> -> memref<128xi32, #tpu.memory_space<hbm>>
      %dma_wait3A_16 = tpu.memref_slice %arg4[%mul3A_2] : memref<4096xi32, #tpu.memory_space<hbm>> -> memref<128xi32, #tpu.memory_space<hbm>>
      tpu.wait_dma2 semaphore(%run_scoped3A : memref<!tpu.dma_semaphore, #tpu.memory_space<semaphore_mem>>) src(%dma_wait3A_16 : memref<128xi32, #tpu.memory_space<hbm>>) dst(%arg8 : memref<128xi32, #tpu.memory_space<vmem>>)
      tpu.yield
    }) : () -> ()
    %dma_start3A = arith.constant 0 : i32
    %dma_start3A_3 = arith.constant 0 : i32
    %dma_start3A_4 = tpu.memref_slice %arg5[%dma_start3A, %dma_start3A_3] : memref<10240x768xf32, #tpu.memory_space<hbm>> -> memref<10240x768xf32, #tpu.memory_space<hbm>>
    tpu.enqueue_indirect_dma source(%arg6 : memref<128x768xf32, #tpu.memory_space<vmem>>) target(%dma_start3A_4 : memref<10240x768xf32, #tpu.memory_space<hbm>>) offsets(%arg7 : memref<128xi32, #tpu.memory_space<vmem>>) semaphore(%arg9 : memref<!tpu.dma_semaphore, #tpu.memory_space<semaphore_mem>>)
    %dma_start3A_5 = arith.constant 0 : i32
    %dma_start3A_6 = arith.constant 0 : i32
    %dma_start3A_7 = tpu.memref_slice %arg5[%dma_start3A_5, %dma_start3A_6] : memref<10240x768xf32, #tpu.memory_space<hbm>> -> memref<10240x768xf32, #tpu.memory_space<hbm>>
    tpu.enqueue_indirect_dma source(%arg6 : memref<128x768xf32, #tpu.memory_space<vmem>>) target(%dma_start3A_7 : memref<10240x768xf32, #tpu.memory_space<hbm>>) offsets(%arg8 : memref<128xi32, #tpu.memory_space<vmem>>) semaphore(%arg10 : memref<!tpu.dma_semaphore, #tpu.memory_space<semaphore_mem>>)
    %dma_wait3A = arith.constant 0 : i32
    %dma_wait3A_8 = arith.constant 0 : i32
    %dma_wait3A_9 = tpu.memref_slice %arg5[%dma_wait3A, %dma_wait3A_8] : memref<10240x768xf32, #tpu.memory_space<hbm>> -> memref<10240x768xf32, #tpu.memory_space<hbm>>
    tpu.wait_indirect_dma semaphore(%arg9 : memref<!tpu.dma_semaphore, #tpu.memory_space<semaphore_mem>>) src(%arg6 : memref<128x768xf32, #tpu.memory_space<vmem>>) dst(%dma_wait3A_9 : memref<10240x768xf32, #tpu.memory_space<hbm>>)
    %dma_wait3A_10 = arith.constant 0 : i32
    %dma_wait3A_11 = arith.constant 0 : i32
    %dma_wait3A_12 = tpu.memref_slice %arg5[%dma_wait3A_10, %dma_wait3A_11] : memref<10240x768xf32, #tpu.memory_space<hbm>> -> memref<10240x768xf32, #tpu.memory_space<hbm>>
    tpu.wait_indirect_dma semaphore(%arg10 : memref<!tpu.dma_semaphore, #tpu.memory_space<semaphore_mem>>) src(%arg6 : memref<128x768xf32, #tpu.memory_space<vmem>>) dst(%dma_wait3A_12 : memref<10240x768xf32, #tpu.memory_space<hbm>>)
    return
  }
}

#map = affine_map<(d0, d1) -> (0, 0)>
#map1 = affine_map<(d0, d1) -> (0)>
module attributes {stable_mosaic.version = 14 : i64} {
  func.func @collect(%arg0: i32, %arg1: i32, %arg2: memref<10240x768xf32, #tpu.memory_space<hbm>>, %arg3: memref<4096xi32, #tpu.memory_space<hbm>>, %arg4: memref<4096xi32, #tpu.memory_space<hbm>>, %arg5: memref<4096x768xf32, #tpu.memory_space<hbm>>, %arg6: memref<4096x768xf32, #tpu.memory_space<hbm>>, %arg7: memref<64x768xf32, #tpu.memory_space<vmem>>, %arg8: memref<64x768xf32, #tpu.memory_space<vmem>>, %arg9: memref<64xi32, #tpu.memory_space<vmem>>, %arg10: memref<64xi32, #tpu.memory_space<vmem>>, %arg11: memref<!tpu.dma_semaphore, #tpu.memory_space<semaphore_mem>>, %arg12: memref<!tpu.dma_semaphore, #tpu.memory_space<semaphore_mem>>) attributes {dimension_semantics = [#tpu.dimension_semantics<core_parallel>, #tpu.dimension_semantics<subcore_parallel>], iteration_bounds = array<i64: 2, 16>, scalar_prefetch = 0 : i64, scratch_operands = 6 : i64, tpu.core_type = #tpu.core_type<sc_vector_subcore>, window_params = [{transform_indices = #map}, {transform_indices = #map1}, {transform_indices = #map1}, {transform_indices = #map}, {transform_indices = #map}]} {
    %mul3A = arith.constant 2 : i32
    %mul3A_0 = arith.muli %arg1, %mul3A : i32
    %add3A = arith.addi %mul3A_0, %arg0 : i32
    %mul3A_1 = arith.constant 128 : i32
    %mul3A_2 = arith.muli %add3A, %mul3A_1 : i32
    %add3A_3 = arith.constant 0 : i32
    %add3A_4 = arith.addi %mul3A_2, %add3A_3 : i32
    "tpu.region"() ({
      %run_scoped3A = tpu.sem_alloc : memref<!tpu.dma_semaphore, #tpu.memory_space<semaphore_mem>>
      %dma_start3A_31 = tpu.memref_slice %arg3[%add3A_4] : memref<4096xi32, #tpu.memory_space<hbm>> -> memref<64xi32, #tpu.memory_space<hbm>>
      %dma_start3A_32 = tpu.memref_slice %arg3[%add3A_4] : memref<4096xi32, #tpu.memory_space<hbm>> -> memref<64xi32, #tpu.memory_space<hbm>>
      tpu.enqueue_dma source(%dma_start3A_32 : memref<64xi32, #tpu.memory_space<hbm>>) target(%arg9 : memref<64xi32, #tpu.memory_space<vmem>>) target_semaphore(%run_scoped3A : memref<!tpu.dma_semaphore, #tpu.memory_space<semaphore_mem>>)
      %dma_wait3A_33 = tpu.memref_slice %arg3[%add3A_4] : memref<4096xi32, #tpu.memory_space<hbm>> -> memref<64xi32, #tpu.memory_space<hbm>>
      %dma_wait3A_34 = tpu.memref_slice %arg3[%add3A_4] : memref<4096xi32, #tpu.memory_space<hbm>> -> memref<64xi32, #tpu.memory_space<hbm>>
      tpu.wait_dma2 semaphore(%run_scoped3A : memref<!tpu.dma_semaphore, #tpu.memory_space<semaphore_mem>>) src(%dma_wait3A_34 : memref<64xi32, #tpu.memory_space<hbm>>) dst(%arg9 : memref<64xi32, #tpu.memory_space<vmem>>)
      tpu.yield
    }) : () -> ()
    "tpu.region"() ({
      %run_scoped3A = tpu.sem_alloc : memref<!tpu.dma_semaphore, #tpu.memory_space<semaphore_mem>>
      %dma_start3A_31 = tpu.memref_slice %arg4[%add3A_4] : memref<4096xi32, #tpu.memory_space<hbm>> -> memref<64xi32, #tpu.memory_space<hbm>>
      %dma_start3A_32 = tpu.memref_slice %arg4[%add3A_4] : memref<4096xi32, #tpu.memory_space<hbm>> -> memref<64xi32, #tpu.memory_space<hbm>>
      tpu.enqueue_dma source(%dma_start3A_32 : memref<64xi32, #tpu.memory_space<hbm>>) target(%arg10 : memref<64xi32, #tpu.memory_space<vmem>>) target_semaphore(%run_scoped3A : memref<!tpu.dma_semaphore, #tpu.memory_space<semaphore_mem>>)
      %dma_wait3A_33 = tpu.memref_slice %arg4[%add3A_4] : memref<4096xi32, #tpu.memory_space<hbm>> -> memref<64xi32, #tpu.memory_space<hbm>>
      %dma_wait3A_34 = tpu.memref_slice %arg4[%add3A_4] : memref<4096xi32, #tpu.memory_space<hbm>> -> memref<64xi32, #tpu.memory_space<hbm>>
      tpu.wait_dma2 semaphore(%run_scoped3A : memref<!tpu.dma_semaphore, #tpu.memory_space<semaphore_mem>>) src(%dma_wait3A_34 : memref<64xi32, #tpu.memory_space<hbm>>) dst(%arg10 : memref<64xi32, #tpu.memory_space<vmem>>)
      tpu.yield
    }) : () -> ()
    %dma_start3A = arith.constant 0 : i32
    %dma_start3A_5 = arith.constant 0 : i32
    %dma_start3A_6 = tpu.memref_slice %arg2[%dma_start3A, %dma_start3A_5] : memref<10240x768xf32, #tpu.memory_space<hbm>> -> memref<10240x768xf32, #tpu.memory_space<hbm>>
    tpu.enqueue_indirect_dma source(%dma_start3A_6 : memref<10240x768xf32, #tpu.memory_space<hbm>>) target(%arg7 : memref<64x768xf32, #tpu.memory_space<vmem>>) offsets(%arg9 : memref<64xi32, #tpu.memory_space<vmem>>) semaphore(%arg11 : memref<!tpu.dma_semaphore, #tpu.memory_space<semaphore_mem>>)
    %dma_start3A_7 = arith.constant 0 : i32
    %dma_start3A_8 = arith.constant 0 : i32
    %dma_start3A_9 = tpu.memref_slice %arg2[%dma_start3A_7, %dma_start3A_8] : memref<10240x768xf32, #tpu.memory_space<hbm>> -> memref<10240x768xf32, #tpu.memory_space<hbm>>
    tpu.enqueue_indirect_dma source(%dma_start3A_9 : memref<10240x768xf32, #tpu.memory_space<hbm>>) target(%arg8 : memref<64x768xf32, #tpu.memory_space<vmem>>) offsets(%arg10 : memref<64xi32, #tpu.memory_space<vmem>>) semaphore(%arg12 : memref<!tpu.dma_semaphore, #tpu.memory_space<semaphore_mem>>)
    %dma_wait3A = arith.constant 0 : i32
    %dma_wait3A_10 = arith.constant 0 : i32
    %dma_wait3A_11 = tpu.memref_slice %arg2[%dma_wait3A, %dma_wait3A_10] : memref<10240x768xf32, #tpu.memory_space<hbm>> -> memref<10240x768xf32, #tpu.memory_space<hbm>>
    tpu.wait_indirect_dma semaphore(%arg11 : memref<!tpu.dma_semaphore, #tpu.memory_space<semaphore_mem>>) src(%dma_wait3A_11 : memref<10240x768xf32, #tpu.memory_space<hbm>>) dst(%arg7 : memref<64x768xf32, #tpu.memory_space<vmem>>)
    %dma_wait3A_12 = arith.constant 0 : i32
    %dma_wait3A_13 = arith.constant 0 : i32
    %dma_wait3A_14 = tpu.memref_slice %arg2[%dma_wait3A_12, %dma_wait3A_13] : memref<10240x768xf32, #tpu.memory_space<hbm>> -> memref<10240x768xf32, #tpu.memory_space<hbm>>
    tpu.wait_indirect_dma semaphore(%arg12 : memref<!tpu.dma_semaphore, #tpu.memory_space<semaphore_mem>>) src(%dma_wait3A_14 : memref<10240x768xf32, #tpu.memory_space<hbm>>) dst(%arg8 : memref<64x768xf32, #tpu.memory_space<vmem>>)
    "tpu.region"() ({
      %run_scoped3A = tpu.sem_alloc : memref<!tpu.dma_semaphore, #tpu.memory_space<semaphore_mem>>
      %dma_start3A_31 = arith.constant 0 : i32
      %dma_start3A_32 = tpu.memref_slice %arg5[%add3A_4, %dma_start3A_31] : memref<4096x768xf32, #tpu.memory_space<hbm>> -> memref<64x768xf32, #tpu.memory_space<hbm>>
      %dma_start3A_33 = arith.constant 0 : i32
      %dma_start3A_34 = tpu.memref_slice %arg5[%add3A_4, %dma_start3A_33] : memref<4096x768xf32, #tpu.memory_space<hbm>> -> memref<64x768xf32, #tpu.memory_space<hbm>>
      tpu.enqueue_dma source(%arg7 : memref<64x768xf32, #tpu.memory_space<vmem>>) target(%dma_start3A_34 : memref<64x768xf32, #tpu.memory_space<hbm>>) target_semaphore(%run_scoped3A : memref<!tpu.dma_semaphore, #tpu.memory_space<semaphore_mem>>)
      %dma_wait3A_35 = arith.constant 0 : i32
      %dma_wait3A_36 = tpu.memref_slice %arg5[%add3A_4, %dma_wait3A_35] : memref<4096x768xf32, #tpu.memory_space<hbm>> -> memref<64x768xf32, #tpu.memory_space<hbm>>
      %dma_wait3A_37 = arith.constant 0 : i32
      %dma_wait3A_38 = tpu.memref_slice %arg5[%add3A_4, %dma_wait3A_37] : memref<4096x768xf32, #tpu.memory_space<hbm>> -> memref<64x768xf32, #tpu.memory_space<hbm>>
      tpu.wait_dma2 semaphore(%run_scoped3A : memref<!tpu.dma_semaphore, #tpu.memory_space<semaphore_mem>>) src(%arg7 : memref<64x768xf32, #tpu.memory_space<vmem>>) dst(%dma_wait3A_38 : memref<64x768xf32, #tpu.memory_space<hbm>>)
      tpu.yield
    }) : () -> ()
    "tpu.region"() ({
      %run_scoped3A = tpu.sem_alloc : memref<!tpu.dma_semaphore, #tpu.memory_space<semaphore_mem>>
      %dma_start3A_31 = arith.constant 0 : i32
      %dma_start3A_32 = tpu.memref_slice %arg6[%add3A_4, %dma_start3A_31] : memref<4096x768xf32, #tpu.memory_space<hbm>> -> memref<64x768xf32, #tpu.memory_space<hbm>>
      %dma_start3A_33 = arith.constant 0 : i32
      %dma_start3A_34 = tpu.memref_slice %arg6[%add3A_4, %dma_start3A_33] : memref<4096x768xf32, #tpu.memory_space<hbm>> -> memref<64x768xf32, #tpu.memory_space<hbm>>
      tpu.enqueue_dma source(%arg8 : memref<64x768xf32, #tpu.memory_space<vmem>>) target(%dma_start3A_34 : memref<64x768xf32, #tpu.memory_space<hbm>>) target_semaphore(%run_scoped3A : memref<!tpu.dma_semaphore, #tpu.memory_space<semaphore_mem>>)
      %dma_wait3A_35 = arith.constant 0 : i32
      %dma_wait3A_36 = tpu.memref_slice %arg6[%add3A_4, %dma_wait3A_35] : memref<4096x768xf32, #tpu.memory_space<hbm>> -> memref<64x768xf32, #tpu.memory_space<hbm>>
      %dma_wait3A_37 = arith.constant 0 : i32
      %dma_wait3A_38 = tpu.memref_slice %arg6[%add3A_4, %dma_wait3A_37] : memref<4096x768xf32, #tpu.memory_space<hbm>> -> memref<64x768xf32, #tpu.memory_space<hbm>>
      tpu.wait_dma2 semaphore(%run_scoped3A : memref<!tpu.dma_semaphore, #tpu.memory_space<semaphore_mem>>) src(%arg8 : memref<64x768xf32, #tpu.memory_space<vmem>>) dst(%dma_wait3A_38 : memref<64x768xf32, #tpu.memory_space<hbm>>)
      tpu.yield
    }) : () -> ()
    %mul3A_15 = arith.constant 128 : i32
    %mul3A_16 = arith.muli %add3A, %mul3A_15 : i32
    %add3A_17 = arith.constant 64 : i32
    %add3A_18 = arith.addi %mul3A_16, %add3A_17 : i32
    "tpu.region"() ({
      %run_scoped3A = tpu.sem_alloc : memref<!tpu.dma_semaphore, #tpu.memory_space<semaphore_mem>>
      %dma_start3A_31 = tpu.memref_slice %arg3[%add3A_18] : memref<4096xi32, #tpu.memory_space<hbm>> -> memref<64xi32, #tpu.memory_space<hbm>>
      %dma_start3A_32 = tpu.memref_slice %arg3[%add3A_18] : memref<4096xi32, #tpu.memory_space<hbm>> -> memref<64xi32, #tpu.memory_space<hbm>>
      tpu.enqueue_dma source(%dma_start3A_32 : memref<64xi32, #tpu.memory_space<hbm>>) target(%arg9 : memref<64xi32, #tpu.memory_space<vmem>>) target_semaphore(%run_scoped3A : memref<!tpu.dma_semaphore, #tpu.memory_space<semaphore_mem>>)
      %dma_wait3A_33 = tpu.memref_slice %arg3[%add3A_18] : memref<4096xi32, #tpu.memory_space<hbm>> -> memref<64xi32, #tpu.memory_space<hbm>>
      %dma_wait3A_34 = tpu.memref_slice %arg3[%add3A_18] : memref<4096xi32, #tpu.memory_space<hbm>> -> memref<64xi32, #tpu.memory_space<hbm>>
      tpu.wait_dma2 semaphore(%run_scoped3A : memref<!tpu.dma_semaphore, #tpu.memory_space<semaphore_mem>>) src(%dma_wait3A_34 : memref<64xi32, #tpu.memory_space<hbm>>) dst(%arg9 : memref<64xi32, #tpu.memory_space<vmem>>)
      tpu.yield
    }) : () -> ()
    "tpu.region"() ({
      %run_scoped3A = tpu.sem_alloc : memref<!tpu.dma_semaphore, #tpu.memory_space<semaphore_mem>>
      %dma_start3A_31 = tpu.memref_slice %arg4[%add3A_18] : memref<4096xi32, #tpu.memory_space<hbm>> -> memref<64xi32, #tpu.memory_space<hbm>>
      %dma_start3A_32 = tpu.memref_slice %arg4[%add3A_18] : memref<4096xi32, #tpu.memory_space<hbm>> -> memref<64xi32, #tpu.memory_space<hbm>>
      tpu.enqueue_dma source(%dma_start3A_32 : memref<64xi32, #tpu.memory_space<hbm>>) target(%arg10 : memref<64xi32, #tpu.memory_space<vmem>>) target_semaphore(%run_scoped3A : memref<!tpu.dma_semaphore, #tpu.memory_space<semaphore_mem>>)
      %dma_wait3A_33 = tpu.memref_slice %arg4[%add3A_18] : memref<4096xi32, #tpu.memory_space<hbm>> -> memref<64xi32, #tpu.memory_space<hbm>>
      %dma_wait3A_34 = tpu.memref_slice %arg4[%add3A_18] : memref<4096xi32, #tpu.memory_space<hbm>> -> memref<64xi32, #tpu.memory_space<hbm>>
      tpu.wait_dma2 semaphore(%run_scoped3A : memref<!tpu.dma_semaphore, #tpu.memory_space<semaphore_mem>>) src(%dma_wait3A_34 : memref<64xi32, #tpu.memory_space<hbm>>) dst(%arg10 : memref<64xi32, #tpu.memory_space<vmem>>)
      tpu.yield
    }) : () -> ()
    %dma_start3A_19 = arith.constant 0 : i32
    %dma_start3A_20 = arith.constant 0 : i32
    %dma_start3A_21 = tpu.memref_slice %arg2[%dma_start3A_19, %dma_start3A_20] : memref<10240x768xf32, #tpu.memory_space<hbm>> -> memref<10240x768xf32, #tpu.memory_space<hbm>>
    tpu.enqueue_indirect_dma source(%dma_start3A_21 : memref<10240x768xf32, #tpu.memory_space<hbm>>) target(%arg7 : memref<64x768xf32, #tpu.memory_space<vmem>>) offsets(%arg9 : memref<64xi32, #tpu.memory_space<vmem>>) semaphore(%arg11 : memref<!tpu.dma_semaphore, #tpu.memory_space<semaphore_mem>>)
    %dma_start3A_22 = arith.constant 0 : i32
    %dma_start3A_23 = arith.constant 0 : i32
    %dma_start3A_24 = tpu.memref_slice %arg2[%dma_start3A_22, %dma_start3A_23] : memref<10240x768xf32, #tpu.memory_space<hbm>> -> memref<10240x768xf32, #tpu.memory_space<hbm>>
    tpu.enqueue_indirect_dma source(%dma_start3A_24 : memref<10240x768xf32, #tpu.memory_space<hbm>>) target(%arg8 : memref<64x768xf32, #tpu.memory_space<vmem>>) offsets(%arg10 : memref<64xi32, #tpu.memory_space<vmem>>) semaphore(%arg12 : memref<!tpu.dma_semaphore, #tpu.memory_space<semaphore_mem>>)
    %dma_wait3A_25 = arith.constant 0 : i32
    %dma_wait3A_26 = arith.constant 0 : i32
    %dma_wait3A_27 = tpu.memref_slice %arg2[%dma_wait3A_25, %dma_wait3A_26] : memref<10240x768xf32, #tpu.memory_space<hbm>> -> memref<10240x768xf32, #tpu.memory_space<hbm>>
    tpu.wait_indirect_dma semaphore(%arg11 : memref<!tpu.dma_semaphore, #tpu.memory_space<semaphore_mem>>) src(%dma_wait3A_27 : memref<10240x768xf32, #tpu.memory_space<hbm>>) dst(%arg7 : memref<64x768xf32, #tpu.memory_space<vmem>>)
    %dma_wait3A_28 = arith.constant 0 : i32
    %dma_wait3A_29 = arith.constant 0 : i32
    %dma_wait3A_30 = tpu.memref_slice %arg2[%dma_wait3A_28, %dma_wait3A_29] : memref<10240x768xf32, #tpu.memory_space<hbm>> -> memref<10240x768xf32, #tpu.memory_space<hbm>>
    tpu.wait_indirect_dma semaphore(%arg12 : memref<!tpu.dma_semaphore, #tpu.memory_space<semaphore_mem>>) src(%dma_wait3A_30 : memref<10240x768xf32, #tpu.memory_space<hbm>>) dst(%arg8 : memref<64x768xf32, #tpu.memory_space<vmem>>)
    "tpu.region"() ({
      %run_scoped3A = tpu.sem_alloc : memref<!tpu.dma_semaphore, #tpu.memory_space<semaphore_mem>>
      %dma_start3A_31 = arith.constant 0 : i32
      %dma_start3A_32 = tpu.memref_slice %arg5[%add3A_18, %dma_start3A_31] : memref<4096x768xf32, #tpu.memory_space<hbm>> -> memref<64x768xf32, #tpu.memory_space<hbm>>
      %dma_start3A_33 = arith.constant 0 : i32
      %dma_start3A_34 = tpu.memref_slice %arg5[%add3A_18, %dma_start3A_33] : memref<4096x768xf32, #tpu.memory_space<hbm>> -> memref<64x768xf32, #tpu.memory_space<hbm>>
      tpu.enqueue_dma source(%arg7 : memref<64x768xf32, #tpu.memory_space<vmem>>) target(%dma_start3A_34 : memref<64x768xf32, #tpu.memory_space<hbm>>) target_semaphore(%run_scoped3A : memref<!tpu.dma_semaphore, #tpu.memory_space<semaphore_mem>>)
      %dma_wait3A_35 = arith.constant 0 : i32
      %dma_wait3A_36 = tpu.memref_slice %arg5[%add3A_18, %dma_wait3A_35] : memref<4096x768xf32, #tpu.memory_space<hbm>> -> memref<64x768xf32, #tpu.memory_space<hbm>>
      %dma_wait3A_37 = arith.constant 0 : i32
      %dma_wait3A_38 = tpu.memref_slice %arg5[%add3A_18, %dma_wait3A_37] : memref<4096x768xf32, #tpu.memory_space<hbm>> -> memref<64x768xf32, #tpu.memory_space<hbm>>
      tpu.wait_dma2 semaphore(%run_scoped3A : memref<!tpu.dma_semaphore, #tpu.memory_space<semaphore_mem>>) src(%arg7 : memref<64x768xf32, #tpu.memory_space<vmem>>) dst(%dma_wait3A_38 : memref<64x768xf32, #tpu.memory_space<hbm>>)
      tpu.yield
    }) : () -> ()
    "tpu.region"() ({
      %run_scoped3A = tpu.sem_alloc : memref<!tpu.dma_semaphore, #tpu.memory_space<semaphore_mem>>
      %dma_start3A_31 = arith.constant 0 : i32
      %dma_start3A_32 = tpu.memref_slice %arg6[%add3A_18, %dma_start3A_31] : memref<4096x768xf32, #tpu.memory_space<hbm>> -> memref<64x768xf32, #tpu.memory_space<hbm>>
      %dma_start3A_33 = arith.constant 0 : i32
      %dma_start3A_34 = tpu.memref_slice %arg6[%add3A_18, %dma_start3A_33] : memref<4096x768xf32, #tpu.memory_space<hbm>> -> memref<64x768xf32, #tpu.memory_space<hbm>>
      tpu.enqueue_dma source(%arg8 : memref<64x768xf32, #tpu.memory_space<vmem>>) target(%dma_start3A_34 : memref<64x768xf32, #tpu.memory_space<hbm>>) target_semaphore(%run_scoped3A : memref<!tpu.dma_semaphore, #tpu.memory_space<semaphore_mem>>)
      %dma_wait3A_35 = arith.constant 0 : i32
      %dma_wait3A_36 = tpu.memref_slice %arg6[%add3A_18, %dma_wait3A_35] : memref<4096x768xf32, #tpu.memory_space<hbm>> -> memref<64x768xf32, #tpu.memory_space<hbm>>
      %dma_wait3A_37 = arith.constant 0 : i32
      %dma_wait3A_38 = tpu.memref_slice %arg6[%add3A_18, %dma_wait3A_37] : memref<4096x768xf32, #tpu.memory_space<hbm>> -> memref<64x768xf32, #tpu.memory_space<hbm>>
      tpu.wait_dma2 semaphore(%run_scoped3A : memref<!tpu.dma_semaphore, #tpu.memory_space<semaphore_mem>>) src(%arg8 : memref<64x768xf32, #tpu.memory_space<vmem>>) dst(%dma_wait3A_38 : memref<64x768xf32, #tpu.memory_space<hbm>>)
      tpu.yield
    }) : () -> ()
    return
  }
}

module attributes {stable_mosaic.version = 14 : i64} {
  func.func @_route_build_kernel(%arg0: memref<4096x8xf32, #tpu.memory_space<vmem>>, %arg1: memref<4096x8xf32, #tpu.memory_space<vmem>>, %arg2: memref<8x64xi32, #tpu.memory_space<vmem>>) attributes {dimension_semantics = [], scalar_prefetch = 0 : i64, scratch_operands = 0 : i64, tpu.core_type = #tpu.core_type<tc>} {
    %get3A = arith.constant 0 : index
    %get3A_0 = arith.constant 0 : index
    %get3A_1 = vector.load %arg0[%get3A, %get3A_0] : memref<4096x8xf32, #tpu.memory_space<vmem>>, vector<4096x8xf32>
    %iota3A = tpu.iota {dimensions = array<i32: 1>} : vector<4096x8xi32>
    %reduce_max3A = arith.constant dense<0xFF800000> : vector<4096xf32>
    %reduce_max3A_2 = vector.multi_reduction <maximumf>, %get3A_1, %reduce_max3A [1] : vector<4096x8xf32> to vector<4096xf32>
    %broadcast_in_dim3A = vector.shape_cast %reduce_max3A_2 : vector<4096xf32> to vector<4096x1xf32>
    %eq3A = vector.broadcast %broadcast_in_dim3A : vector<4096x1xf32> to vector<4096x8xf32>
    %eq3A_3 = arith.cmpf oeq, %get3A_1, %eq3A : vector<4096x8xf32>
    %jit3A = arith.constant 8 : i32
    %broadcast_in_dim3A_4 = vector.broadcast %jit3A : i32 to vector<4096x8xi32>
    %select_n3A = arith.select %eq3A_3, %iota3A, %broadcast_in_dim3A_4 : vector<4096x8xi1>, vector<4096x8xi32>
    %reduce_min3A = arith.constant dense<2147483647> : vector<4096xi32>
    %reduce_min3A_5 = vector.multi_reduction <minsi>, %select_n3A, %reduce_min3A [1] : vector<4096x8xi32> to vector<4096xi32>
    %broadcast_in_dim3A_6 = vector.shape_cast %reduce_min3A_5 : vector<4096xi32> to vector<4096x1xi32>
    %eq3A_7 = vector.broadcast %broadcast_in_dim3A_6 : vector<4096x1xi32> to vector<4096x8xi32>
    %eq3A_8 = arith.cmpi eq, %iota3A, %eq3A_7 : vector<4096x8xi32>
    %jit3A_9 = arith.constant -1.000000e+30 : f32
    %broadcast_in_dim3A_10 = vector.broadcast %jit3A_9 : f32 to vector<4096x8xf32>
    %select_n3A_11 = arith.select %eq3A_8, %broadcast_in_dim3A_10, %get3A_1 : vector<4096x8xi1>, vector<4096x8xf32>
    %reduce_max3A_12 = arith.constant dense<0xFF800000> : vector<4096xf32>
    %reduce_max3A_13 = vector.multi_reduction <maximumf>, %select_n3A_11, %reduce_max3A_12 [1] : vector<4096x8xf32> to vector<4096xf32>
    %broadcast_in_dim3A_14 = vector.shape_cast %reduce_max3A_13 : vector<4096xf32> to vector<4096x1xf32>
    %eq3A_15 = vector.broadcast %broadcast_in_dim3A_14 : vector<4096x1xf32> to vector<4096x8xf32>
    %eq3A_16 = arith.cmpf oeq, %select_n3A_11, %eq3A_15 : vector<4096x8xf32>
    %jit3A_17 = arith.constant 8 : i32
    %broadcast_in_dim3A_18 = vector.broadcast %jit3A_17 : i32 to vector<4096x8xi32>
    %select_n3A_19 = arith.select %eq3A_16, %iota3A, %broadcast_in_dim3A_18 : vector<4096x8xi1>, vector<4096x8xi32>
    %reduce_min3A_20 = arith.constant dense<2147483647> : vector<4096xi32>
    %reduce_min3A_21 = vector.multi_reduction <minsi>, %select_n3A_19, %reduce_min3A_20 [1] : vector<4096x8xi32> to vector<4096xi32>
    %broadcast_in_dim3A_22 = vector.shape_cast %reduce_min3A_21 : vector<4096xi32> to vector<4096x1xi32>
    %sub3A = arith.subf %broadcast_in_dim3A_14, %broadcast_in_dim3A : vector<4096x1xf32>
    %exp3A = math.exp %sub3A : vector<4096x1xf32>
    %add3A = arith.constant 1.000000e+00 : f32
    %add3A_23 = vector.broadcast %add3A : f32 to vector<4096x1xf32>
    %add3A_24 = arith.addf %add3A_23, %exp3A : vector<4096x1xf32>
    %div3A = arith.constant 1.000000e+00 : f32
    %div3A_25 = vector.broadcast %div3A : f32 to vector<4096x1xf32>
    %div3A_26 = arith.divf %div3A_25, %add3A_24 : vector<4096x1xf32>
    %sub3A_27 = arith.constant 1.000000e+00 : f32
    %sub3A_28 = vector.broadcast %sub3A_27 : f32 to vector<4096x1xf32>
    %sub3A_29 = arith.subf %sub3A_28, %div3A_26 : vector<4096x1xf32>
    %eq3A_30 = vector.broadcast %broadcast_in_dim3A_6 : vector<4096x1xi32> to vector<4096x8xi32>
    %eq3A_31 = arith.cmpi eq, %iota3A, %eq3A_30 : vector<4096x8xi32>
    %eq3A_32 = vector.broadcast %broadcast_in_dim3A_22 : vector<4096x1xi32> to vector<4096x8xi32>
    %eq3A_33 = arith.cmpi eq, %iota3A, %eq3A_32 : vector<4096x8xi32>
    %convert_element_type3A = arith.extui %eq3A_31 : vector<4096x8xi1> to vector<4096x8xi32>
    %convert_element_type3A_34 = arith.sitofp %convert_element_type3A : vector<4096x8xi32> to vector<4096x8xf32>
    %convert_element_type3A_35 = arith.extui %eq3A_33 : vector<4096x8xi1> to vector<4096x8xi32>
    %convert_element_type3A_36 = arith.sitofp %convert_element_type3A_35 : vector<4096x8xi32> to vector<4096x8xf32>
    %add3A_37 = arith.addf %convert_element_type3A_34, %convert_element_type3A_36 : vector<4096x8xf32>
    %iota3A_38 = tpu.iota {dimensions = array<i32: 0>} : vector<512x512xi32>
    %iota3A_39 = tpu.iota {dimensions = array<i32: 1>} : vector<512x512xi32>
    %gt3A = arith.cmpi sgt, %iota3A_38, %iota3A_39 : vector<512x512xi32>
    %convert_element_type3A_40 = arith.extui %gt3A : vector<512x512xi1> to vector<512x512xi32>
    %convert_element_type3A_41 = arith.sitofp %convert_element_type3A_40 : vector<512x512xi32> to vector<512x512xf32>
    %broadcast_in_dim3A_42 = arith.constant 0.000000e+00 : f32
    %broadcast_in_dim3A_43 = vector.broadcast %broadcast_in_dim3A_42 : f32 to vector<1x8xf32>
    %slice3A = vector.extract_strided_slice %add3A_37 {offsets = [0, 0], sizes = [512, 8], strides = [1, 1]} : vector<4096x8xf32> to vector<512x8xf32>
    %dot_general3A = arith.constant dense<0.000000e+00> : vector<512x8xf32>
    %dot_general3A_44 = tpu.matmul %convert_element_type3A_41, %slice3A, %dot_general3A {dimension_numbers = #tpu.dot_dimension_numbers<[1], [0], [0], [1], [0, 0, 1, 1], [], []>, transpose_lhs_hint = false} : vector<512x512xf32>, vector<512x8xf32>, vector<512x8xf32> -> vector<512x8xf32>
    %add3A_45 = vector.broadcast %broadcast_in_dim3A_43 : vector<1x8xf32> to vector<512x8xf32>
    %add3A_46 = arith.addf %add3A_45, %dot_general3A_44 : vector<512x8xf32>
    %reduce_sum3A = arith.constant dense<0.000000e+00> : vector<8xf32>
    %reduce_sum3A_47 = vector.multi_reduction <add>, %slice3A, %reduce_sum3A [0] : vector<512x8xf32> to vector<8xf32>
    %broadcast_in_dim3A_48 = vector.shape_cast %reduce_sum3A_47 : vector<8xf32> to vector<1x8xf32>
    %add3A_49 = arith.addf %broadcast_in_dim3A_43, %broadcast_in_dim3A_48 : vector<1x8xf32>
    %slice3A_50 = vector.extract_strided_slice %add3A_37 {offsets = [512, 0], sizes = [512, 8], strides = [1, 1]} : vector<4096x8xf32> to vector<512x8xf32>
    %dot_general3A_51 = arith.constant dense<0.000000e+00> : vector<512x8xf32>
    %dot_general3A_52 = tpu.matmul %convert_element_type3A_41, %slice3A_50, %dot_general3A_51 {dimension_numbers = #tpu.dot_dimension_numbers<[1], [0], [0], [1], [0, 0, 1, 1], [], []>, transpose_lhs_hint = false} : vector<512x512xf32>, vector<512x8xf32>, vector<512x8xf32> -> vector<512x8xf32>
    %add3A_53 = vector.broadcast %add3A_49 : vector<1x8xf32> to vector<512x8xf32>
    %add3A_54 = arith.addf %add3A_53, %dot_general3A_52 : vector<512x8xf32>
    %reduce_sum3A_55 = arith.constant dense<0.000000e+00> : vector<8xf32>
    %reduce_sum3A_56 = vector.multi_reduction <add>, %slice3A_50, %reduce_sum3A_55 [0] : vector<512x8xf32> to vector<8xf32>
    %broadcast_in_dim3A_57 = vector.shape_cast %reduce_sum3A_56 : vector<8xf32> to vector<1x8xf32>
    %add3A_58 = arith.addf %add3A_49, %broadcast_in_dim3A_57 : vector<1x8xf32>
    %slice3A_59 = vector.extract_strided_slice %add3A_37 {offsets = [1024, 0], sizes = [512, 8], strides = [1, 1]} : vector<4096x8xf32> to vector<512x8xf32>
    %dot_general3A_60 = arith.constant dense<0.000000e+00> : vector<512x8xf32>
    %dot_general3A_61 = tpu.matmul %convert_element_type3A_41, %slice3A_59, %dot_general3A_60 {dimension_numbers = #tpu.dot_dimension_numbers<[1], [0], [0], [1], [0, 0, 1, 1], [], []>, transpose_lhs_hint = false} : vector<512x512xf32>, vector<512x8xf32>, vector<512x8xf32> -> vector<512x8xf32>
    %add3A_62 = vector.broadcast %add3A_58 : vector<1x8xf32> to vector<512x8xf32>
    %add3A_63 = arith.addf %add3A_62, %dot_general3A_61 : vector<512x8xf32>
    %reduce_sum3A_64 = arith.constant dense<0.000000e+00> : vector<8xf32>
    %reduce_sum3A_65 = vector.multi_reduction <add>, %slice3A_59, %reduce_sum3A_64 [0] : vector<512x8xf32> to vector<8xf32>
    %broadcast_in_dim3A_66 = vector.shape_cast %reduce_sum3A_65 : vector<8xf32> to vector<1x8xf32>
    %add3A_67 = arith.addf %add3A_58, %broadcast_in_dim3A_66 : vector<1x8xf32>
    %slice3A_68 = vector.extract_strided_slice %add3A_37 {offsets = [1536, 0], sizes = [512, 8], strides = [1, 1]} : vector<4096x8xf32> to vector<512x8xf32>
    %dot_general3A_69 = arith.constant dense<0.000000e+00> : vector<512x8xf32>
    %dot_general3A_70 = tpu.matmul %convert_element_type3A_41, %slice3A_68, %dot_general3A_69 {dimension_numbers = #tpu.dot_dimension_numbers<[1], [0], [0], [1], [0, 0, 1, 1], [], []>, transpose_lhs_hint = false} : vector<512x512xf32>, vector<512x8xf32>, vector<512x8xf32> -> vector<512x8xf32>
    %add3A_71 = vector.broadcast %add3A_67 : vector<1x8xf32> to vector<512x8xf32>
    %add3A_72 = arith.addf %add3A_71, %dot_general3A_70 : vector<512x8xf32>
    %reduce_sum3A_73 = arith.constant dense<0.000000e+00> : vector<8xf32>
    %reduce_sum3A_74 = vector.multi_reduction <add>, %slice3A_68, %reduce_sum3A_73 [0] : vector<512x8xf32> to vector<8xf32>
    %broadcast_in_dim3A_75 = vector.shape_cast %reduce_sum3A_74 : vector<8xf32> to vector<1x8xf32>
    %add3A_76 = arith.addf %add3A_67, %broadcast_in_dim3A_75 : vector<1x8xf32>
    %slice3A_77 = vector.extract_strided_slice %add3A_37 {offsets = [2048, 0], sizes = [512, 8], strides = [1, 1]} : vector<4096x8xf32> to vector<512x8xf32>
    %dot_general3A_78 = arith.constant dense<0.000000e+00> : vector<512x8xf32>
    %dot_general3A_79 = tpu.matmul %convert_element_type3A_41, %slice3A_77, %dot_general3A_78 {dimension_numbers = #tpu.dot_dimension_numbers<[1], [0], [0], [1], [0, 0, 1, 1], [], []>, transpose_lhs_hint = false} : vector<512x512xf32>, vector<512x8xf32>, vector<512x8xf32> -> vector<512x8xf32>
    %add3A_80 = vector.broadcast %add3A_76 : vector<1x8xf32> to vector<512x8xf32>
    %add3A_81 = arith.addf %add3A_80, %dot_general3A_79 : vector<512x8xf32>
    %reduce_sum3A_82 = arith.constant dense<0.000000e+00> : vector<8xf32>
    %reduce_sum3A_83 = vector.multi_reduction <add>, %slice3A_77, %reduce_sum3A_82 [0] : vector<512x8xf32> to vector<8xf32>
    %broadcast_in_dim3A_84 = vector.shape_cast %reduce_sum3A_83 : vector<8xf32> to vector<1x8xf32>
    %add3A_85 = arith.addf %add3A_76, %broadcast_in_dim3A_84 : vector<1x8xf32>
    %slice3A_86 = vector.extract_strided_slice %add3A_37 {offsets = [2560, 0], sizes = [512, 8], strides = [1, 1]} : vector<4096x8xf32> to vector<512x8xf32>
    %dot_general3A_87 = arith.constant dense<0.000000e+00> : vector<512x8xf32>
    %dot_general3A_88 = tpu.matmul %convert_element_type3A_41, %slice3A_86, %dot_general3A_87 {dimension_numbers = #tpu.dot_dimension_numbers<[1], [0], [0], [1], [0, 0, 1, 1], [], []>, transpose_lhs_hint = false} : vector<512x512xf32>, vector<512x8xf32>, vector<512x8xf32> -> vector<512x8xf32>
    %add3A_89 = vector.broadcast %add3A_85 : vector<1x8xf32> to vector<512x8xf32>
    %add3A_90 = arith.addf %add3A_89, %dot_general3A_88 : vector<512x8xf32>
    %reduce_sum3A_91 = arith.constant dense<0.000000e+00> : vector<8xf32>
    %reduce_sum3A_92 = vector.multi_reduction <add>, %slice3A_86, %reduce_sum3A_91 [0] : vector<512x8xf32> to vector<8xf32>
    %broadcast_in_dim3A_93 = vector.shape_cast %reduce_sum3A_92 : vector<8xf32> to vector<1x8xf32>
    %add3A_94 = arith.addf %add3A_85, %broadcast_in_dim3A_93 : vector<1x8xf32>
    %slice3A_95 = vector.extract_strided_slice %add3A_37 {offsets = [3072, 0], sizes = [512, 8], strides = [1, 1]} : vector<4096x8xf32> to vector<512x8xf32>
    %dot_general3A_96 = arith.constant dense<0.000000e+00> : vector<512x8xf32>
    %dot_general3A_97 = tpu.matmul %convert_element_type3A_41, %slice3A_95, %dot_general3A_96 {dimension_numbers = #tpu.dot_dimension_numbers<[1], [0], [0], [1], [0, 0, 1, 1], [], []>, transpose_lhs_hint = false} : vector<512x512xf32>, vector<512x8xf32>, vector<512x8xf32> -> vector<512x8xf32>
    %add3A_98 = vector.broadcast %add3A_94 : vector<1x8xf32> to vector<512x8xf32>
    %add3A_99 = arith.addf %add3A_98, %dot_general3A_97 : vector<512x8xf32>
    %reduce_sum3A_100 = arith.constant dense<0.000000e+00> : vector<8xf32>
    %reduce_sum3A_101 = vector.multi_reduction <add>, %slice3A_95, %reduce_sum3A_100 [0] : vector<512x8xf32> to vector<8xf32>
    %broadcast_in_dim3A_102 = vector.shape_cast %reduce_sum3A_101 : vector<8xf32> to vector<1x8xf32>
    %add3A_103 = arith.addf %add3A_94, %broadcast_in_dim3A_102 : vector<1x8xf32>
    %slice3A_104 = vector.extract_strided_slice %add3A_37 {offsets = [3584, 0], sizes = [512, 8], strides = [1, 1]} : vector<4096x8xf32> to vector<512x8xf32>
    %dot_general3A_105 = arith.constant dense<0.000000e+00> : vector<512x8xf32>
    %dot_general3A_106 = tpu.matmul %convert_element_type3A_41, %slice3A_104, %dot_general3A_105 {dimension_numbers = #tpu.dot_dimension_numbers<[1], [0], [0], [1], [0, 0, 1, 1], [], []>, transpose_lhs_hint = false} : vector<512x512xf32>, vector<512x8xf32>, vector<512x8xf32> -> vector<512x8xf32>
    %add3A_107 = vector.broadcast %add3A_103 : vector<1x8xf32> to vector<512x8xf32>
    %add3A_108 = arith.addf %add3A_107, %dot_general3A_106 : vector<512x8xf32>
    %reduce_sum3A_109 = arith.constant dense<0.000000e+00> : vector<8xf32>
    %reduce_sum3A_110 = vector.multi_reduction <add>, %slice3A_104, %reduce_sum3A_109 [0] : vector<512x8xf32> to vector<8xf32>
    %broadcast_in_dim3A_111 = vector.shape_cast %reduce_sum3A_110 : vector<8xf32> to vector<1x8xf32>
    %add3A_112 = arith.addf %add3A_103, %broadcast_in_dim3A_111 : vector<1x8xf32>
    %concatenate3A = tpu.concatenate %add3A_46, %add3A_54, %add3A_63, %add3A_72, %add3A_81, %add3A_90, %add3A_99, %add3A_108 in 0 : vector<512x8xf32>, vector<512x8xf32>, vector<512x8xf32>, vector<512x8xf32>, vector<512x8xf32>, vector<512x8xf32>, vector<512x8xf32>, vector<512x8xf32> -> vector<4096x8xf32>
    %add3A_113 = arith.constant 2.550000e+02 : f32
    %add3A_114 = vector.broadcast %add3A_113 : f32 to vector<1x8xf32>
    %add3A_115 = arith.addf %add3A_112, %add3A_114 : vector<1x8xf32>
    %mul3A = arith.constant 3.906250e-03 : f32
    %mul3A_116 = vector.broadcast %mul3A : f32 to vector<1x8xf32>
    %mul3A_117 = arith.mulf %add3A_115, %mul3A_116 : vector<1x8xf32>
    %floor3A = math.floor %mul3A_117 : vector<1x8xf32>
    %mul3A_118 = arith.constant 2.560000e+02 : f32
    %mul3A_119 = vector.broadcast %mul3A_118 : f32 to vector<1x8xf32>
    %mul3A_120 = arith.mulf %floor3A, %mul3A_119 : vector<1x8xf32>
    %iota3A_121 = tpu.iota {dimensions = array<i32: 0>} : vector<8x8xi32>
    %iota3A_122 = tpu.iota {dimensions = array<i32: 1>} : vector<8x8xi32>
    %lt3A = arith.cmpi slt, %iota3A_121, %iota3A_122 : vector<8x8xi32>
    %convert_element_type3A_123 = arith.extui %lt3A : vector<8x8xi1> to vector<8x8xi32>
    %convert_element_type3A_124 = arith.sitofp %convert_element_type3A_123 : vector<8x8xi32> to vector<8x8xf32>
    %dot_general3A_125 = arith.constant dense<0.000000e+00> : vector<1x8xf32>
    %dot_general3A_126 = tpu.matmul %mul3A_120, %convert_element_type3A_124, %dot_general3A_125 {dimension_numbers = #tpu.dot_dimension_numbers<[1], [0], [0], [1], [0, 0, 1, 1], [], []>, transpose_lhs_hint = false} : vector<1x8xf32>, vector<8x8xf32>, vector<1x8xf32> -> vector<1x8xf32>
    %jit3A_127 = arith.constant 0.000000e+00 : f32
    %broadcast_in_dim3A_128 = vector.shape_cast %dot_general3A_126 : vector<1x8xf32> to vector<1x8xf32>
    %broadcast_in_dim3A_129 = vector.broadcast %broadcast_in_dim3A_128 : vector<1x8xf32> to vector<4096x8xf32>
    %broadcast_in_dim3A_130 = vector.broadcast %jit3A_127 : f32 to vector<4096x8xf32>
    %select_n3A_131 = arith.select %eq3A_31, %broadcast_in_dim3A_129, %broadcast_in_dim3A_130 : vector<4096x8xi1>, vector<4096x8xf32>
    %reduce_sum3A_132 = arith.constant dense<0.000000e+00> : vector<4096xf32>
    %reduce_sum3A_133 = vector.multi_reduction <add>, %select_n3A_131, %reduce_sum3A_132 [1] : vector<4096x8xf32> to vector<4096xf32>
    %broadcast_in_dim3A_134 = vector.shape_cast %reduce_sum3A_133 : vector<4096xf32> to vector<4096x1xf32>
    %jit3A_135 = arith.constant 0.000000e+00 : f32
    %broadcast_in_dim3A_136 = vector.broadcast %jit3A_135 : f32 to vector<4096x8xf32>
    %select_n3A_137 = arith.select %eq3A_31, %concatenate3A, %broadcast_in_dim3A_136 : vector<4096x8xi1>, vector<4096x8xf32>
    %reduce_sum3A_138 = arith.constant dense<0.000000e+00> : vector<4096xf32>
    %reduce_sum3A_139 = vector.multi_reduction <add>, %select_n3A_137, %reduce_sum3A_138 [1] : vector<4096x8xf32> to vector<4096xf32>
    %broadcast_in_dim3A_140 = vector.shape_cast %reduce_sum3A_139 : vector<4096xf32> to vector<4096x1xf32>
    %jit3A_141 = arith.constant 0.000000e+00 : f32
    %broadcast_in_dim3A_142 = vector.shape_cast %dot_general3A_126 : vector<1x8xf32> to vector<1x8xf32>
    %broadcast_in_dim3A_143 = vector.broadcast %broadcast_in_dim3A_142 : vector<1x8xf32> to vector<4096x8xf32>
    %broadcast_in_dim3A_144 = vector.broadcast %jit3A_141 : f32 to vector<4096x8xf32>
    %select_n3A_145 = arith.select %eq3A_33, %broadcast_in_dim3A_143, %broadcast_in_dim3A_144 : vector<4096x8xi1>, vector<4096x8xf32>
    %reduce_sum3A_146 = arith.constant dense<0.000000e+00> : vector<4096xf32>
    %reduce_sum3A_147 = vector.multi_reduction <add>, %select_n3A_145, %reduce_sum3A_146 [1] : vector<4096x8xf32> to vector<4096xf32>
    %broadcast_in_dim3A_148 = vector.shape_cast %reduce_sum3A_147 : vector<4096xf32> to vector<4096x1xf32>
    %jit3A_149 = arith.constant 0.000000e+00 : f32
    %broadcast_in_dim3A_150 = vector.broadcast %jit3A_149 : f32 to vector<4096x8xf32>
    %select_n3A_151 = arith.select %eq3A_33, %concatenate3A, %broadcast_in_dim3A_150 : vector<4096x8xi1>, vector<4096x8xf32>
    %reduce_sum3A_152 = arith.constant dense<0.000000e+00> : vector<4096xf32>
    %reduce_sum3A_153 = vector.multi_reduction <add>, %select_n3A_151, %reduce_sum3A_152 [1] : vector<4096x8xf32> to vector<4096xf32>
    %broadcast_in_dim3A_154 = vector.shape_cast %reduce_sum3A_153 : vector<4096xf32> to vector<4096x1xf32>
    %add3A_155 = arith.addf %broadcast_in_dim3A_134, %broadcast_in_dim3A_140 : vector<4096x1xf32>
    %add3A_156 = arith.addf %broadcast_in_dim3A_148, %broadcast_in_dim3A_154 : vector<4096x1xf32>
    %eq3A_157 = arith.constant 0 : i32
    %eq3A_158 = vector.broadcast %eq3A_157 : i32 to vector<4096x8xi32>
    %eq3A_159 = arith.cmpi eq, %iota3A, %eq3A_158 : vector<4096x8xi32>
    %jit3A_160 = arith.constant 0.000000e+00 : f32
    %broadcast_in_dim3A_161 = vector.shape_cast %add3A_155 : vector<4096x1xf32> to vector<4096x1xf32>
    %broadcast_in_dim3A_162 = vector.broadcast %broadcast_in_dim3A_161 : vector<4096x1xf32> to vector<4096x8xf32>
    %broadcast_in_dim3A_163 = vector.broadcast %jit3A_160 : f32 to vector<4096x8xf32>
    %select_n3A_164 = arith.select %eq3A_159, %broadcast_in_dim3A_162, %broadcast_in_dim3A_163 : vector<4096x8xi1>, vector<4096x8xf32>
    %eq3A_165 = arith.constant 1 : i32
    %eq3A_166 = vector.broadcast %eq3A_165 : i32 to vector<4096x8xi32>
    %eq3A_167 = arith.cmpi eq, %iota3A, %eq3A_166 : vector<4096x8xi32>
    %jit3A_168 = arith.constant 0.000000e+00 : f32
    %broadcast_in_dim3A_169 = vector.shape_cast %add3A_156 : vector<4096x1xf32> to vector<4096x1xf32>
    %broadcast_in_dim3A_170 = vector.broadcast %broadcast_in_dim3A_169 : vector<4096x1xf32> to vector<4096x8xf32>
    %broadcast_in_dim3A_171 = vector.broadcast %jit3A_168 : f32 to vector<4096x8xf32>
    %select_n3A_172 = arith.select %eq3A_167, %broadcast_in_dim3A_170, %broadcast_in_dim3A_171 : vector<4096x8xi1>, vector<4096x8xf32>
    %add3A_173 = arith.addf %select_n3A_164, %select_n3A_172 : vector<4096x8xf32>
    %eq3A_174 = arith.constant 2 : i32
    %eq3A_175 = vector.broadcast %eq3A_174 : i32 to vector<4096x8xi32>
    %eq3A_176 = arith.cmpi eq, %iota3A, %eq3A_175 : vector<4096x8xi32>
    %jit3A_177 = arith.constant 0.000000e+00 : f32
    %broadcast_in_dim3A_178 = vector.shape_cast %div3A_26 : vector<4096x1xf32> to vector<4096x1xf32>
    %broadcast_in_dim3A_179 = vector.broadcast %broadcast_in_dim3A_178 : vector<4096x1xf32> to vector<4096x8xf32>
    %broadcast_in_dim3A_180 = vector.broadcast %jit3A_177 : f32 to vector<4096x8xf32>
    %select_n3A_181 = arith.select %eq3A_176, %broadcast_in_dim3A_179, %broadcast_in_dim3A_180 : vector<4096x8xi1>, vector<4096x8xf32>
    %add3A_182 = arith.addf %add3A_173, %select_n3A_181 : vector<4096x8xf32>
    %eq3A_183 = arith.constant 3 : i32
    %eq3A_184 = vector.broadcast %eq3A_183 : i32 to vector<4096x8xi32>
    %eq3A_185 = arith.cmpi eq, %iota3A, %eq3A_184 : vector<4096x8xi32>
    %jit3A_186 = arith.constant 0.000000e+00 : f32
    %broadcast_in_dim3A_187 = vector.shape_cast %sub3A_29 : vector<4096x1xf32> to vector<4096x1xf32>
    %broadcast_in_dim3A_188 = vector.broadcast %broadcast_in_dim3A_187 : vector<4096x1xf32> to vector<4096x8xf32>
    %broadcast_in_dim3A_189 = vector.broadcast %jit3A_186 : f32 to vector<4096x8xf32>
    %select_n3A_190 = arith.select %eq3A_185, %broadcast_in_dim3A_188, %broadcast_in_dim3A_189 : vector<4096x8xi1>, vector<4096x8xf32>
    %add3A_191 = arith.addf %add3A_182, %select_n3A_190 : vector<4096x8xf32>
    %swap3A = arith.constant 0 : index
    %swap3A_192 = arith.constant 0 : index
    %swap3A_193 = vector.load %arg1[%swap3A, %swap3A_192] : memref<4096x8xf32, #tpu.memory_space<vmem>>, vector<4096x8xf32>
    tpu.vector_store %arg1[%swap3A, %swap3A_192], %add3A_191 {strides = array<i32>} : memref<4096x8xf32, #tpu.memory_space<vmem>>, vector<4096x8xf32>,
    %iota3A_194 = tpu.iota {dimensions = array<i32: 1>} : vector<8x64xi32>
    %mul3A_195 = arith.constant 256 : i32
    %mul3A_196 = vector.broadcast %mul3A_195 : i32 to vector<8x64xi32>
    %mul3A_197 = arith.muli %iota3A_194, %mul3A_196 : vector<8x64xi32>
    %convert_element_type3A_198 = arith.sitofp %mul3A_197 : vector<8x64xi32> to vector<8x64xf32>
    %broadcast_in_dim3A_199 = arith.constant -1 : i32
    %broadcast_in_dim3A_200 = vector.broadcast %broadcast_in_dim3A_199 : i32 to vector<8x64xi32>
    %slice3A_201 = vector.extract_strided_slice %dot_general3A_126 {offsets = [0, 0], sizes = [1, 1], strides = [1, 1]} : vector<1x8xf32> to vector<1x1xf32>
    %squeeze3A = vector.extract %slice3A_201[0, 0] : f32 from vector<1x1xf32>
    %slice3A_202 = vector.extract_strided_slice %mul3A_120 {offsets = [0, 0], sizes = [1, 1], strides = [1, 1]} : vector<1x8xf32> to vector<1x1xf32>
    %squeeze3A_203 = vector.extract %slice3A_202[0, 0] : f32 from vector<1x1xf32>
    %add3A_204 = arith.addf %squeeze3A, %squeeze3A_203 : f32
    %ge3A = vector.broadcast %squeeze3A : f32 to vector<8x64xf32>
    %ge3A_205 = arith.cmpf oge, %convert_element_type3A_198, %ge3A : vector<8x64xf32>
    %lt3A_206 = vector.broadcast %add3A_204 : f32 to vector<8x64xf32>
    %lt3A_207 = arith.cmpf olt, %convert_element_type3A_198, %lt3A_206 : vector<8x64xf32>
    %and3A = arith.andi %ge3A_205, %lt3A_207 : vector<8x64xi1>
    %jit3A_208 = arith.constant 1 : i32
    %jit3A_209 = arith.constant 0 : i32
    %broadcast_in_dim3A_210 = vector.broadcast %jit3A_208 : i32 to vector<8x64xi32>
    %broadcast_in_dim3A_211 = vector.broadcast %jit3A_209 : i32 to vector<8x64xi32>
    %select_n3A_212 = arith.select %and3A, %broadcast_in_dim3A_210, %broadcast_in_dim3A_211 : vector<8x64xi1>, vector<8x64xi32>
    %add3A_213 = arith.addi %broadcast_in_dim3A_200, %select_n3A_212 : vector<8x64xi32>
    %slice3A_214 = vector.extract_strided_slice %dot_general3A_126 {offsets = [0, 1], sizes = [1, 1], strides = [1, 1]} : vector<1x8xf32> to vector<1x1xf32>
    %squeeze3A_215 = vector.extract %slice3A_214[0, 0] : f32 from vector<1x1xf32>
    %slice3A_216 = vector.extract_strided_slice %mul3A_120 {offsets = [0, 1], sizes = [1, 1], strides = [1, 1]} : vector<1x8xf32> to vector<1x1xf32>
    %squeeze3A_217 = vector.extract %slice3A_216[0, 0] : f32 from vector<1x1xf32>
    %add3A_218 = arith.addf %squeeze3A_215, %squeeze3A_217 : f32
    %ge3A_219 = vector.broadcast %squeeze3A_215 : f32 to vector<8x64xf32>
    %ge3A_220 = arith.cmpf oge, %convert_element_type3A_198, %ge3A_219 : vector<8x64xf32>
    %lt3A_221 = vector.broadcast %add3A_218 : f32 to vector<8x64xf32>
    %lt3A_222 = arith.cmpf olt, %convert_element_type3A_198, %lt3A_221 : vector<8x64xf32>
    %and3A_223 = arith.andi %ge3A_220, %lt3A_222 : vector<8x64xi1>
    %jit3A_224 = arith.constant 2 : i32
    %jit3A_225 = arith.constant 0 : i32
    %broadcast_in_dim3A_226 = vector.broadcast %jit3A_224 : i32 to vector<8x64xi32>
    %broadcast_in_dim3A_227 = vector.broadcast %jit3A_225 : i32 to vector<8x64xi32>
    %select_n3A_228 = arith.select %and3A_223, %broadcast_in_dim3A_226, %broadcast_in_dim3A_227 : vector<8x64xi1>, vector<8x64xi32>
    %add3A_229 = arith.addi %add3A_213, %select_n3A_228 : vector<8x64xi32>
    %slice3A_230 = vector.extract_strided_slice %dot_general3A_126 {offsets = [0, 2], sizes = [1, 1], strides = [1, 1]} : vector<1x8xf32> to vector<1x1xf32>
    %squeeze3A_231 = vector.extract %slice3A_230[0, 0] : f32 from vector<1x1xf32>
    %slice3A_232 = vector.extract_strided_slice %mul3A_120 {offsets = [0, 2], sizes = [1, 1], strides = [1, 1]} : vector<1x8xf32> to vector<1x1xf32>
    %squeeze3A_233 = vector.extract %slice3A_232[0, 0] : f32 from vector<1x1xf32>
    %add3A_234 = arith.addf %squeeze3A_231, %squeeze3A_233 : f32
    %ge3A_235 = vector.broadcast %squeeze3A_231 : f32 to vector<8x64xf32>
    %ge3A_236 = arith.cmpf oge, %convert_element_type3A_198, %ge3A_235 : vector<8x64xf32>
    %lt3A_237 = vector.broadcast %add3A_234 : f32 to vector<8x64xf32>
    %lt3A_238 = arith.cmpf olt, %convert_element_type3A_198, %lt3A_237 : vector<8x64xf32>
    %and3A_239 = arith.andi %ge3A_236, %lt3A_238 : vector<8x64xi1>
    %jit3A_240 = arith.constant 3 : i32
    %jit3A_241 = arith.constant 0 : i32
    %broadcast_in_dim3A_242 = vector.broadcast %jit3A_240 : i32 to vector<8x64xi32>
    %broadcast_in_dim3A_243 = vector.broadcast %jit3A_241 : i32 to vector<8x64xi32>
    %select_n3A_244 = arith.select %and3A_239, %broadcast_in_dim3A_242, %broadcast_in_dim3A_243 : vector<8x64xi1>, vector<8x64xi32>
    %add3A_245 = arith.addi %add3A_229, %select_n3A_244 : vector<8x64xi32>
    %slice3A_246 = vector.extract_strided_slice %dot_general3A_126 {offsets = [0, 3], sizes = [1, 1], strides = [1, 1]} : vector<1x8xf32> to vector<1x1xf32>
    %squeeze3A_247 = vector.extract %slice3A_246[0, 0] : f32 from vector<1x1xf32>
    %slice3A_248 = vector.extract_strided_slice %mul3A_120 {offsets = [0, 3], sizes = [1, 1], strides = [1, 1]} : vector<1x8xf32> to vector<1x1xf32>
    %squeeze3A_249 = vector.extract %slice3A_248[0, 0] : f32 from vector<1x1xf32>
    %add3A_250 = arith.addf %squeeze3A_247, %squeeze3A_249 : f32
    %ge3A_251 = vector.broadcast %squeeze3A_247 : f32 to vector<8x64xf32>
    %ge3A_252 = arith.cmpf oge, %convert_element_type3A_198, %ge3A_251 : vector<8x64xf32>
    %lt3A_253 = vector.broadcast %add3A_250 : f32 to vector<8x64xf32>
    %lt3A_254 = arith.cmpf olt, %convert_element_type3A_198, %lt3A_253 : vector<8x64xf32>
    %and3A_255 = arith.andi %ge3A_252, %lt3A_254 : vector<8x64xi1>
    %jit3A_256 = arith.constant 4 : i32
    %jit3A_257 = arith.constant 0 : i32
    %broadcast_in_dim3A_258 = vector.broadcast %jit3A_256 : i32 to vector<8x64xi32>
    %broadcast_in_dim3A_259 = vector.broadcast %jit3A_257 : i32 to vector<8x64xi32>
    %select_n3A_260 = arith.select %and3A_255, %broadcast_in_dim3A_258, %broadcast_in_dim3A_259 : vector<8x64xi1>, vector<8x64xi32>
    %add3A_261 = arith.addi %add3A_245, %select_n3A_260 : vector<8x64xi32>
    %slice3A_262 = vector.extract_strided_slice %dot_general3A_126 {offsets = [0, 4], sizes = [1, 1], strides = [1, 1]} : vector<1x8xf32> to vector<1x1xf32>
    %squeeze3A_263 = vector.extract %slice3A_262[0, 0] : f32 from vector<1x1xf32>
    %slice3A_264 = vector.extract_strided_slice %mul3A_120 {offsets = [0, 4], sizes = [1, 1], strides = [1, 1]} : vector<1x8xf32> to vector<1x1xf32>
    %squeeze3A_265 = vector.extract %slice3A_264[0, 0] : f32 from vector<1x1xf32>
    %add3A_266 = arith.addf %squeeze3A_263, %squeeze3A_265 : f32
    %ge3A_267 = vector.broadcast %squeeze3A_263 : f32 to vector<8x64xf32>
    %ge3A_268 = arith.cmpf oge, %convert_element_type3A_198, %ge3A_267 : vector<8x64xf32>
    %lt3A_269 = vector.broadcast %add3A_266 : f32 to vector<8x64xf32>
    %lt3A_270 = arith.cmpf olt, %convert_element_type3A_198, %lt3A_269 : vector<8x64xf32>
    %and3A_271 = arith.andi %ge3A_268, %lt3A_270 : vector<8x64xi1>
    %jit3A_272 = arith.constant 5 : i32
    %jit3A_273 = arith.constant 0 : i32
    %broadcast_in_dim3A_274 = vector.broadcast %jit3A_272 : i32 to vector<8x64xi32>
    %broadcast_in_dim3A_275 = vector.broadcast %jit3A_273 : i32 to vector<8x64xi32>
    %select_n3A_276 = arith.select %and3A_271, %broadcast_in_dim3A_274, %broadcast_in_dim3A_275 : vector<8x64xi1>, vector<8x64xi32>
    %add3A_277 = arith.addi %add3A_261, %select_n3A_276 : vector<8x64xi32>
    %slice3A_278 = vector.extract_strided_slice %dot_general3A_126 {offsets = [0, 5], sizes = [1, 1], strides = [1, 1]} : vector<1x8xf32> to vector<1x1xf32>
    %squeeze3A_279 = vector.extract %slice3A_278[0, 0] : f32 from vector<1x1xf32>
    %slice3A_280 = vector.extract_strided_slice %mul3A_120 {offsets = [0, 5], sizes = [1, 1], strides = [1, 1]} : vector<1x8xf32> to vector<1x1xf32>
    %squeeze3A_281 = vector.extract %slice3A_280[0, 0] : f32 from vector<1x1xf32>
    %add3A_282 = arith.addf %squeeze3A_279, %squeeze3A_281 : f32
    %ge3A_283 = vector.broadcast %squeeze3A_279 : f32 to vector<8x64xf32>
    %ge3A_284 = arith.cmpf oge, %convert_element_type3A_198, %ge3A_283 : vector<8x64xf32>
    %lt3A_285 = vector.broadcast %add3A_282 : f32 to vector<8x64xf32>
    %lt3A_286 = arith.cmpf olt, %convert_element_type3A_198, %lt3A_285 : vector<8x64xf32>
    %and3A_287 = arith.andi %ge3A_284, %lt3A_286 : vector<8x64xi1>
    %jit3A_288 = arith.constant 6 : i32
    %jit3A_289 = arith.constant 0 : i32
    %broadcast_in_dim3A_290 = vector.broadcast %jit3A_288 : i32 to vector<8x64xi32>
    %broadcast_in_dim3A_291 = vector.broadcast %jit3A_289 : i32 to vector<8x64xi32>
    %select_n3A_292 = arith.select %and3A_287, %broadcast_in_dim3A_290, %broadcast_in_dim3A_291 : vector<8x64xi1>, vector<8x64xi32>
    %add3A_293 = arith.addi %add3A_277, %select_n3A_292 : vector<8x64xi32>
    %slice3A_294 = vector.extract_strided_slice %dot_general3A_126 {offsets = [0, 6], sizes = [1, 1], strides = [1, 1]} : vector<1x8xf32> to vector<1x1xf32>
    %squeeze3A_295 = vector.extract %slice3A_294[0, 0] : f32 from vector<1x1xf32>
    %slice3A_296 = vector.extract_strided_slice %mul3A_120 {offsets = [0, 6], sizes = [1, 1], strides = [1, 1]} : vector<1x8xf32> to vector<1x1xf32>
    %squeeze3A_297 = vector.extract %slice3A_296[0, 0] : f32 from vector<1x1xf32>
    %add3A_298 = arith.addf %squeeze3A_295, %squeeze3A_297 : f32
    %ge3A_299 = vector.broadcast %squeeze3A_295 : f32 to vector<8x64xf32>
    %ge3A_300 = arith.cmpf oge, %convert_element_type3A_198, %ge3A_299 : vector<8x64xf32>
    %lt3A_301 = vector.broadcast %add3A_298 : f32 to vector<8x64xf32>
    %lt3A_302 = arith.cmpf olt, %convert_element_type3A_198, %lt3A_301 : vector<8x64xf32>
    %and3A_303 = arith.andi %ge3A_300, %lt3A_302 : vector<8x64xi1>
    %jit3A_304 = arith.constant 7 : i32
    %jit3A_305 = arith.constant 0 : i32
    %broadcast_in_dim3A_306 = vector.broadcast %jit3A_304 : i32 to vector<8x64xi32>
    %broadcast_in_dim3A_307 = vector.broadcast %jit3A_305 : i32 to vector<8x64xi32>
    %select_n3A_308 = arith.select %and3A_303, %broadcast_in_dim3A_306, %broadcast_in_dim3A_307 : vector<8x64xi1>, vector<8x64xi32>
    %add3A_309 = arith.addi %add3A_293, %select_n3A_308 : vector<8x64xi32>
    %slice3A_310 = vector.extract_strided_slice %dot_general3A_126 {offsets = [0, 7], sizes = [1, 1], strides = [1, 1]} : vector<1x8xf32> to vector<1x1xf32>
    %squeeze3A_311 = vector.extract %slice3A_310[0, 0] : f32 from vector<1x1xf32>
    %slice3A_312 = vector.extract_strided_slice %mul3A_120 {offsets = [0, 7], sizes = [1, 1], strides = [1, 1]} : vector<1x8xf32> to vector<1x1xf32>
    %squeeze3A_313 = vector.extract %slice3A_312[0, 0] : f32 from vector<1x1xf32>
    %add3A_314 = arith.addf %squeeze3A_311, %squeeze3A_313 : f32
    %ge3A_315 = vector.broadcast %squeeze3A_311 : f32 to vector<8x64xf32>
    %ge3A_316 = arith.cmpf oge, %convert_element_type3A_198, %ge3A_315 : vector<8x64xf32>
    %lt3A_317 = vector.broadcast %add3A_314 : f32 to vector<8x64xf32>
    %lt3A_318 = arith.cmpf olt, %convert_element_type3A_198, %lt3A_317 : vector<8x64xf32>
    %and3A_319 = arith.andi %ge3A_316, %lt3A_318 : vector<8x64xi1>
    %jit3A_320 = arith.constant 8 : i32
    %jit3A_321 = arith.constant 0 : i32
    %broadcast_in_dim3A_322 = vector.broadcast %jit3A_320 : i32 to vector<8x64xi32>
    %broadcast_in_dim3A_323 = vector.broadcast %jit3A_321 : i32 to vector<8x64xi32>
    %select_n3A_324 = arith.select %and3A_319, %broadcast_in_dim3A_322, %broadcast_in_dim3A_323 : vector<8x64xi1>, vector<8x64xi32>
    %add3A_325 = arith.addi %add3A_309, %select_n3A_324 : vector<8x64xi32>
    %swap3A_326 = arith.constant 0 : index
    %swap3A_327 = arith.constant 0 : index
    %swap3A_328 = vector.load %arg2[%swap3A_326, %swap3A_327] : memref<8x64xi32, #tpu.memory_space<vmem>>, vector<8x64xi32>
    tpu.vector_store %arg2[%swap3A_326, %swap3A_327], %add3A_325 {strides = array<i32>} : memref<8x64xi32, #tpu.memory_space<vmem>>, vector<8x64xi32>,
    return
  }
}

module attributes {stable_mosaic.version = 14 : i64} {
  func.func @_expert_ffn_kernel(%arg0: i32, %arg1: memref<40xi32, #tpu.memory_space<smem>>, %arg2: memref<256x768xf32, #tpu.memory_space<vmem>>, %arg3: memref<1x768x768xf32, #tpu.memory_space<vmem>>, %arg4: memref<1x1x768xf32, #tpu.memory_space<vmem>>, %arg5: memref<1x768x768xf32, #tpu.memory_space<vmem>>, %arg6: memref<1x1x768xf32, #tpu.memory_space<vmem>>, %arg7: memref<256x768xf32, #tpu.memory_space<vmem>>) attributes {dimension_semantics = [#tpu.dimension_semantics<arbitrary>], iteration_bounds = array<i64: 40>, scalar_prefetch = 1 : i64, scratch_operands = 0 : i64, tpu.core_type = #tpu.core_type<tc>, window_params = [{transform_indices = @transform_0, window_bounds = array<i64: 256, 768>}, {transform_indices = @transform_1, window_bounds = array<i64: 1, 768, 768>}, {transform_indices = @transform_2, window_bounds = array<i64: 1, 1, 768>}, {transform_indices = @transform_3, window_bounds = array<i64: 1, 768, 768>}, {transform_indices = @transform_4, window_bounds = array<i64: 1, 1, 768>}, {transform_indices = @transform_5, window_bounds = array<i64: 256, 768>}]} {
    %get3A = arith.index_cast %arg0 : i32 to index
    %get3A_0 = memref.load %arg1[%get3A] : memref<40xi32, #tpu.memory_space<smem>>
    %ge3A = arith.constant 0 : i32
    %ge3A_1 = arith.cmpi sge, %get3A_0, %ge3A : i32
    %convert_element_type3A = arith.extui %ge3A_1 : i1 to i32
    %cond3A = arith.constant 0 : i32
    %cond3A_2 = arith.cmpi ne, %convert_element_type3A, %cond3A : i32
    scf.if %cond3A_2 {
      %get3A_3 = arith.constant 0 : index
      %get3A_4 = arith.constant 0 : index
      %get3A_5 = vector.load %arg2[%get3A_3, %get3A_4] : memref<256x768xf32, #tpu.memory_space<vmem>>, vector<256x768xf32>
      %get3A_6 = arith.constant 0 : index
      %get3A_7 = arith.constant 0 : index
      %get3A_8 = arith.constant 0 : index
      %get3A_9 = vector.load %arg3[%get3A_6, %get3A_7, %get3A_8] : memref<1x768x768xf32, #tpu.memory_space<vmem>>, vector<1x768x768xf32>
      %get3A_10 = vector.shape_cast %get3A_9 : vector<1x768x768xf32> to vector<768x768xf32>
      %dot_general3A = arith.constant dense<0.000000e+00> : vector<256x768xf32>
      %dot_general3A_11 = tpu.matmul %get3A_5, %get3A_10, %dot_general3A {dimension_numbers = #tpu.dot_dimension_numbers<[1], [1], [0], [0], [0, 0, 1, 0], [], []>, transpose_lhs_hint = false} : vector<256x768xf32>, vector<768x768xf32>, vector<256x768xf32> -> vector<256x768xf32>
      %get3A_12 = arith.constant 0 : index
      %get3A_13 = arith.constant 0 : index
      %get3A_14 = arith.constant 0 : index
      %get3A_15 = vector.load %arg4[%get3A_12, %get3A_13, %get3A_14] : memref<1x1x768xf32, #tpu.memory_space<vmem>>, vector<1x1x768xf32>
      %get3A_16 = vector.shape_cast %get3A_15 : vector<1x1x768xf32> to vector<1x768xf32>
      %add3A = vector.broadcast %get3A_16 : vector<1x768xf32> to vector<256x768xf32>
      %add3A_17 = arith.addf %dot_general3A_11, %add3A : vector<256x768xf32>
      %max3A = arith.constant 0.000000e+00 : f32
      %max3A_18 = vector.broadcast %max3A : f32 to vector<256x768xf32>
      %max3A_19 = arith.maximumf %add3A_17, %max3A_18 : vector<256x768xf32>
      %get3A_20 = arith.constant 0 : index
      %get3A_21 = arith.constant 0 : index
      %get3A_22 = arith.constant 0 : index
      %get3A_23 = vector.load %arg5[%get3A_20, %get3A_21, %get3A_22] : memref<1x768x768xf32, #tpu.memory_space<vmem>>, vector<1x768x768xf32>
      %get3A_24 = vector.shape_cast %get3A_23 : vector<1x768x768xf32> to vector<768x768xf32>
      %dot_general3A_25 = arith.constant dense<0.000000e+00> : vector<256x768xf32>
      %dot_general3A_26 = tpu.matmul %max3A_19, %get3A_24, %dot_general3A_25 {dimension_numbers = #tpu.dot_dimension_numbers<[1], [1], [0], [0], [0, 0, 1, 0], [], []>, transpose_lhs_hint = false} : vector<256x768xf32>, vector<768x768xf32>, vector<256x768xf32> -> vector<256x768xf32>
      %get3A_27 = arith.constant 0 : index
      %get3A_28 = arith.constant 0 : index
      %get3A_29 = arith.constant 0 : index
      %get3A_30 = vector.load %arg6[%get3A_27, %get3A_28, %get3A_29] : memref<1x1x768xf32, #tpu.memory_space<vmem>>, vector<1x1x768xf32>
      %get3A_31 = vector.shape_cast %get3A_30 : vector<1x1x768xf32> to vector<1x768xf32>
      %add3A_32 = vector.broadcast %get3A_31 : vector<1x768xf32> to vector<256x768xf32>
      %add3A_33 = arith.addf %dot_general3A_26, %add3A_32 : vector<256x768xf32>
      %swap3A = arith.constant 0 : index
      %swap3A_34 = arith.constant 0 : index
      %swap3A_35 = vector.load %arg7[%swap3A, %swap3A_34] : memref<256x768xf32, #tpu.memory_space<vmem>>, vector<256x768xf32>
      tpu.vector_store %arg7[%swap3A, %swap3A_34], %add3A_33 {strides = array<i32>} : memref<256x768xf32, #tpu.memory_space<vmem>>, vector<256x768xf32>,
    } else {
    }
    return
  }
  func.func @transform_0(%arg0: i32, %arg1: memref<40xi32, #tpu.memory_space<smem>>) -> (i32, i32) {
    %c0_i32 = arith.constant 0 : i32
    %c0_i32_0 = arith.constant 0 : i32
    return %arg0, %c0_i32 : i32, i32
  }
  func.func @transform_1(%arg0: i32, %arg1: memref<40xi32, #tpu.memory_space<smem>>) -> (i32, i32, i32) {
    %get3A = arith.index_cast %arg0 : i32 to index
    %get3A_0 = memref.load %arg1[%get3A] : memref<40xi32, #tpu.memory_space<smem>>
    %max3A = arith.constant 0 : i32
    %max3A_1 = arith.maxsi %get3A_0, %max3A : i32
    %c0_i32 = arith.constant 0 : i32
    %c0_i32_2 = arith.constant 0 : i32
    %c0_i32_3 = arith.constant 0 : i32
    return %max3A_1, %c0_i32, %c0_i32_2 : i32, i32, i32
  }
  func.func @transform_2(%arg0: i32, %arg1: memref<40xi32, #tpu.memory_space<smem>>) -> (i32, i32, i32) {
    %get3A = arith.index_cast %arg0 : i32 to index
    %get3A_0 = memref.load %arg1[%get3A] : memref<40xi32, #tpu.memory_space<smem>>
    %max3A = arith.constant 0 : i32
    %max3A_1 = arith.maxsi %get3A_0, %max3A : i32
    %c0_i32 = arith.constant 0 : i32
    %c0_i32_2 = arith.constant 0 : i32
    %c0_i32_3 = arith.constant 0 : i32
    return %max3A_1, %c0_i32, %c0_i32_2 : i32, i32, i32
  }
  func.func @transform_3(%arg0: i32, %arg1: memref<40xi32, #tpu.memory_space<smem>>) -> (i32, i32, i32) {
    %get3A = arith.index_cast %arg0 : i32 to index
    %get3A_0 = memref.load %arg1[%get3A] : memref<40xi32, #tpu.memory_space<smem>>
    %max3A = arith.constant 0 : i32
    %max3A_1 = arith.maxsi %get3A_0, %max3A : i32
    %c0_i32 = arith.constant 0 : i32
    %c0_i32_2 = arith.constant 0 : i32
    %c0_i32_3 = arith.constant 0 : i32
    return %max3A_1, %c0_i32, %c0_i32_2 : i32, i32, i32
  }
  func.func @transform_4(%arg0: i32, %arg1: memref<40xi32, #tpu.memory_space<smem>>) -> (i32, i32, i32) {
    %get3A = arith.index_cast %arg0 : i32 to index
    %get3A_0 = memref.load %arg1[%get3A] : memref<40xi32, #tpu.memory_space<smem>>
    %max3A = arith.constant 0 : i32
    %max3A_1 = arith.maxsi %get3A_0, %max3A : i32
    %c0_i32 = arith.constant 0 : i32
    %c0_i32_2 = arith.constant 0 : i32
    %c0_i32_3 = arith.constant 0 : i32
    return %max3A_1, %c0_i32, %c0_i32_2 : i32, i32, i32
  }
  func.func @transform_5(%arg0: i32, %arg1: memref<40xi32, #tpu.memory_space<smem>>) -> (i32, i32) {
    %c0_i32 = arith.constant 0 : i32
    %c0_i32_0 = arith.constant 0 : i32
    return %arg0, %c0_i32 : i32, i32
  }
}

module attributes {stable_mosaic.version = 14 : i64} {
  func.func @_combine_kernel(%arg0: i32, %arg1: memref<512x8xf32, #tpu.memory_space<vmem>>, %arg2: memref<512x768xf32, #tpu.memory_space<vmem>>, %arg3: memref<512x768xf32, #tpu.memory_space<vmem>>, %arg4: memref<512x768xf32, #tpu.memory_space<vmem>>) attributes {dimension_semantics = [#tpu.dimension_semantics<arbitrary>], iteration_bounds = array<i64: 8>, scalar_prefetch = 0 : i64, scratch_operands = 0 : i64, tpu.core_type = #tpu.core_type<tc>, window_params = [{transform_indices = @transform_0, window_bounds = array<i64: 512, 8>}, {transform_indices = @transform_1, window_bounds = array<i64: 512, 768>}, {transform_indices = @transform_2, window_bounds = array<i64: 512, 768>}, {transform_indices = @transform_3, window_bounds = array<i64: 512, 768>}]} {
    %get3A = arith.constant 0 : index
    %get3A_0 = arith.constant 0 : index
    %get3A_1 = vector.load %arg1[%get3A, %get3A_0] : memref<512x8xf32, #tpu.memory_space<vmem>>, vector<512x8xf32>
    %iota3A = tpu.iota {dimensions = array<i32: 1>} : vector<512x8xi32>
    %eq3A = arith.constant 2 : i32
    %eq3A_2 = vector.broadcast %eq3A : i32 to vector<512x8xi32>
    %eq3A_3 = arith.cmpi eq, %iota3A, %eq3A_2 : vector<512x8xi32>
    %jit3A = arith.constant 0.000000e+00 : f32
    %broadcast_in_dim3A = vector.broadcast %jit3A : f32 to vector<512x8xf32>
    %select_n3A = arith.select %eq3A_3, %get3A_1, %broadcast_in_dim3A : vector<512x8xi1>, vector<512x8xf32>
    %reduce_sum3A = arith.constant dense<0.000000e+00> : vector<512xf32>
    %reduce_sum3A_4 = vector.multi_reduction <add>, %select_n3A, %reduce_sum3A [1] : vector<512x8xf32> to vector<512xf32>
    %broadcast_in_dim3A_5 = vector.shape_cast %reduce_sum3A_4 : vector<512xf32> to vector<512x1xf32>
    %eq3A_6 = arith.constant 3 : i32
    %eq3A_7 = vector.broadcast %eq3A_6 : i32 to vector<512x8xi32>
    %eq3A_8 = arith.cmpi eq, %iota3A, %eq3A_7 : vector<512x8xi32>
    %jit3A_9 = arith.constant 0.000000e+00 : f32
    %broadcast_in_dim3A_10 = vector.broadcast %jit3A_9 : f32 to vector<512x8xf32>
    %select_n3A_11 = arith.select %eq3A_8, %get3A_1, %broadcast_in_dim3A_10 : vector<512x8xi1>, vector<512x8xf32>
    %reduce_sum3A_12 = arith.constant dense<0.000000e+00> : vector<512xf32>
    %reduce_sum3A_13 = vector.multi_reduction <add>, %select_n3A_11, %reduce_sum3A_12 [1] : vector<512x8xf32> to vector<512xf32>
    %broadcast_in_dim3A_14 = vector.shape_cast %reduce_sum3A_13 : vector<512xf32> to vector<512x1xf32>
    %get3A_15 = arith.constant 0 : index
    %get3A_16 = arith.constant 0 : index
    %get3A_17 = vector.load %arg2[%get3A_15, %get3A_16] : memref<512x768xf32, #tpu.memory_space<vmem>>, vector<512x768xf32>
    %mul3A = vector.broadcast %broadcast_in_dim3A_5 : vector<512x1xf32> to vector<512x768xf32>
    %mul3A_18 = arith.mulf %mul3A, %get3A_17 : vector<512x768xf32>
    %get3A_19 = arith.constant 0 : index
    %get3A_20 = arith.constant 0 : index
    %get3A_21 = vector.load %arg3[%get3A_19, %get3A_20] : memref<512x768xf32, #tpu.memory_space<vmem>>, vector<512x768xf32>
    %mul3A_22 = vector.broadcast %broadcast_in_dim3A_14 : vector<512x1xf32> to vector<512x768xf32>
    %mul3A_23 = arith.mulf %mul3A_22, %get3A_21 : vector<512x768xf32>
    %add3A = arith.addf %mul3A_18, %mul3A_23 : vector<512x768xf32>
    %swap3A = arith.constant 0 : index
    %swap3A_24 = arith.constant 0 : index
    %swap3A_25 = vector.load %arg4[%swap3A, %swap3A_24] : memref<512x768xf32, #tpu.memory_space<vmem>>, vector<512x768xf32>
    tpu.vector_store %arg4[%swap3A, %swap3A_24], %add3A {strides = array<i32>} : memref<512x768xf32, #tpu.memory_space<vmem>>, vector<512x768xf32>,
    return
  }
  func.func @transform_0(%arg0: i32) -> (i32, i32) {
    %c0_i32 = arith.constant 0 : i32
    %c0_i32_0 = arith.constant 0 : i32
    return %arg0, %c0_i32 : i32, i32
  }
  func.func @transform_1(%arg0: i32) -> (i32, i32) {
    %c0_i32 = arith.constant 0 : i32
    %c0_i32_0 = arith.constant 0 : i32
    return %arg0, %c0_i32 : i32, i32
  }
  func.func @transform_2(%arg0: i32) -> (i32, i32) {
    %c0_i32 = arith.constant 0 : i32
    %c0_i32_0 = arith.constant 0 : i32
    return %arg0, %c0_i32 : i32, i32
  }
  func.func @transform_3(%arg0: i32) -> (i32, i32) {
    %c0_i32 = arith.constant 0 : i32
    %c0_i32_0 = arith.constant 0 : i32
    return %arg0, %c0_i32 : i32, i32
  }
}

</mosaic_0001>

<sc_bundles>
// kernel: kernel.10.cloned.1.call-start
scs
__scs_entry_jumppad:
0x0: {  	(pc) =	sbr.rel $0x88, $3  }
0x1: {  	(tag) =	ssettag $0x0;
	lr =	simm.s32 $0x1  }
0x2: {  	[smem:$0x3F9B] =	sst lr;
	_ =	strace $0xD0000000  }
0x3: {  	_ = 	snop  }
0x4: {  	_ = 	snop  }
0x5: {  	_ = 	snop  }
0x6: {  	_ = 	snop  }
0x7: {  	_ = 	snop  }
__scs_overlays_trampoline_lowered:
0x8: {  	[smem:$0x3FAA] =	sst s0  }
0x9: {  	[smem:$0x3FAB] =	sst s1  }
0xa: {  	[smem:$0x3FAC] =	sst s2  }
0xb: {  	[smem:$0x3FAD] =	sst s3  }
0xc: {  	[smem:$0x3FAE] =	sst s4  }
0xd: {  	[smem:$0x3FAF] =	sst s5  }
0xe: {  	[smem:$0x3FB0] =	sst s6  }
0xf: {  	[smem:$0x3FB1] =	sst s7  }
0x10: {  	[smem:$0x3FB2] =	sst s8  }
0x11: {  	[smem:$0x3FB3] =	sst s9;
	s0 =	simm.s32 @!p0 $0x0  }
0x12: {  	s1 =	sld [smem:$0x3F99];
	s0 =	simm.s32 @p0 $0x1  }
0x13: {  	[smem:$0x3FB4] =	sst s0;
	s0 =	simm.s32 @!p1 $0x0  }
0x14: {  	s2 =	sld [smem:$0x3F98];
	s0 =	simm.s32 @p1 $0x1  }
0x15: {  	[smem:$0x3FB5] =	sst s0;
	s0 =	simm.s32 @!p2 $0x0  }
0x16: {  	s3 =	sld [smem:$0x3FDB];
	s0 =	simm.s32 @p2 $0x1  }
0x17: {  	s4 =	simm.s32 $0x1BF5;
	[smem:$0x3FB7] =	sst s0  }
0x18: {  	s0 =	sld [smem:$0x3F9A];
	_ =	swait.ge [sflag:s4], $0x0  }
0x19: {  	s7 =	sld [smem:$0x3F9B]  }
0x1a: {  	s8 =	sadd.s32 $0xFFFFE003, lr  }
0x1b: {  	s9 =	sadd.s32 $0xFFFFFEF7, lr;
	s5 =	simm.s32 $0xFFFFFFFF;
	p2 =	slt.u32 s8, $0xFFFFF086  }
0x1c: {  	p1 =	slt.u32 s9, $0xF7A;
	s5 =	simm.s32 @!p2 $0x0  }
0x1d: {  	s5 =	simm.s32 @p1 $0x1;
	p0 =	seq.s32 s7, s2  }
0x1e: {  	s7 =	smul.u32 @!p0 $0xF7A, s2;
	p2 =	seq.s32 @!p0 s5, $0x0  }
0x1f: {  	s9 =	smul.u32 $0xF7A, s1;
	s8 =	simm.s32 @!p0 $0x1BF5;
	p2 =	por !p2, p0  }
0x20: {  	[sflag:s8] =	ssyncset.s32 @!p0 $0xFFFFF086;
	s6 =	sadd.s32 @!p0 s3, s7;
	s7 =	simm.s32 @!p0 $0x108  }
0x21: {  	s3 =	sadd.s32 s3, s9;
	s6 =	sadd.s32 @!p0 $0x88, s6;
	s7 =	simm.s32 @p2 $0x1082  }
0x22: {  	[simem:s7], [sflag:s8] =	dma.local @!p0 [hbm:s6], $0xF7A  }
0x23: {  	s9 =	sor.u32 $0xD0000000, s2;
	s6 =	simm.s32 $0x108;
	_ =	swait.ge @!p0 [sflag:s8], $0x0  }
0x24: {  	s3 =	sadd.s32 $0x88, s3;
	s6 =	simm.s32 @!p1 $0x1082;
	[sflag:s4] =	ssyncset.s32 $0xFFFFF086  }
0x25: {  	[simem:s6], [sflag:s4] =	dma.local [hbm:s3], $0xF7A  }
0x26: {  	[smem:$0x3F9B] =	sst s1;
	(tag) =	ssettag s2;
	_ =	strace s9  }
0x27: {  	s1 =	sld [smem:$0x3FAB]  }
0x28: {  	s2 =	sld [smem:$0x3FAC]  }
0x29: {  	s4 =	sld [smem:$0x3FAE]  }
0x2a: {  	p0 =	seq.s32 s5, $0x0;
	s5 =	sld [smem:$0x3FAF]  }
0x2b: {  	s6 =	sld [smem:$0x3FB0]  }
0x2c: {  	s7 =	sld [smem:$0x3FB1]  }
0x2d: {  	s3 =	simm.s32 $0x108;
	s8 =	sld [smem:$0x3FB2]  }
0x2e: {  	s3 =	simm.s32 @!p0 $0x1082;
	s9 =	sld [smem:$0x3FB3]  }
0x2f: {  	lr =	sadd.s32 s0, s3;
	s0 =	sld [smem:$0x3FAA]  }
0x30: {  	s3 =	sld [smem:$0x3FAD]  }
0x31: {  	[smem:$0x3FB6] =	sst s10  }
0x32: {  	s10 =	sld [smem:$0x3FB4];
	_ =	sdelay $0x3  }
0x33: {  	p0 =	seq.s32 s10, $0x1;
	s10 =	sld [smem:$0x3FB6];
	_ =	sdelay $0x3  }
0x34: {  	[smem:$0x3FB6] =	sst s10  }
0x35: {  	s10 =	sld [smem:$0x3FB5];
	_ =	sdelay $0x3  }
0x36: {  	p1 =	seq.s32 s10, $0x1;
	s10 =	sld [smem:$0x3FB6];
	_ =	sdelay $0x3  }
0x37: {  	[smem:$0x3FB6] =	sst s10  }
0x38: {  	s10 =	sld [smem:$0x3FB7]  }
0x39: {  	_ = 	snop;
	(pc) =	sbr.ind lr, $3  }
0x3a: {  	_ = 	snop  }
0x3b: {  	_ = 	snop  }
0x3c: {  	p2 =	seq.s32 s10, $0x1;
	s10 =	sld [smem:$0x3FB6]  }
0x3d: {  	_ =	shalt  }
0x3e: {  	_ =	shalt  }
0x3f: {  	_ =	shalt  }
0x40: {  	_ =	shalt  }
0x41: {  	_ =	shalt  }
0x42: {  	_ =	shalt  }
0x43: {  	_ =	shalt  }
0x44: {  	_ =	shalt  }
0x45: {  	_ =	shalt  }
0x46: {  	_ =	shalt  }
0x47: {  	_ =	shalt  }
0x48: {  	_ =	shalt  }
0x49: {  	_ =	shalt  }
0x4a: {  	_ =	shalt  }
0x4b: {  	_ =	shalt  }
0x4c: {  	_ =	shalt  }
0x4d: {  	_ =	shalt  }
0x4e: {  	_ =	shalt  }
0x4f: {  	_ =	shalt  }
0x50: {  	_ =	shalt  }
0x51: {  	_ =	shalt  }
0x52: {  	_ =	shalt  }
0x53: {  	_ =	shalt  }
0x54: {  	_ =	shalt  }
0x55: {  	_ =	shalt  }
0x56: {  	_ =	shalt  }
0x57: {  	_ =	shalt  }
0x58: {  	_ =	shalt  }
0x59: {  	_ =	shalt  }
0x5a: {  	_ =	shalt  }
0x5b: {  	_ =	shalt  }
0x5c: {  	_ =	shalt  }
0x5d: {  	_ =	shalt  }
0x5e: {  	_ =	shalt  }
0x5f: {  	_ =	shalt  }
0x60: {  	_ =	shalt  }
0x61: {  	_ =	shalt  }
0x62: {  	_ =	shalt  }
0x63: {  	_ =	shalt  }
0x64: {  	_ =	shalt  }
0x65: {  	_ =	shalt  }
0x66: {  	_ =	shalt  }
0x67: {  	_ =	shalt  }
0x68: {  	_ =	shalt  }
0x69: {  	_ =	shalt  }
0x6a: {  	_ =	shalt  }
0x6b: {  	_ =	shalt  }
0x6c: {  	_ =	shalt  }
0x6d: {  	_ =	shalt  }
0x6e: {  	_ =	shalt  }
0x6f: {  	_ =	shalt  }
0x70: {  	_ =	shalt  }
0x71: {  	_ =	shalt  }
0x72: {  	_ =	shalt  }
0x73: {  	_ =	shalt  }
0x74: {  	_ =	shalt  }
0x75: {  	_ =	shalt  }
0x76: {  	_ =	shalt  }
0x77: {  	_ =	shalt  }
0x78: {  	_ =	shalt  }
0x79: {  	_ =	shalt  }
0x7a: {  	_ =	shalt  }
0x7b: {  	_ =	shalt  }
0x7c: {  	_ =	shalt  }
0x7d: {  	_ =	shalt  }
0x7e: {  	_ =	shalt  }
0x7f: {  	_ =	shalt  }
0x80: {  	_ =	shalt  }
0x81: {  	_ =	shalt  }
0x82: {  	_ =	shalt  }
0x83: {  	_ =	shalt  }
0x84: {  	_ =	shalt  }
0x85: {  	_ =	shalt  }
0x86: {  	_ =	shalt  }
0x87: {  	_ =	shalt  }
.Lfunc_end0:
.L_simem_size_0:
called_computation.1_lowered:
.L_overlay_start_0:
0x88: {  	s2 =	sld [smem:$0x3FD9]  }
0x89: {  	s3 =	sld [smem:$0x3FFE];
	_ =	sdelay $0x1  }
0x8a: {  	s1 =	srdreg.scid  }
0x8b: {  	s0 =	sand.u32 $0x1, s1  }
0x8c: {  	s17 =	sshll.u32 s0, $0xA;
	s2 =	sadd.s32 s3, s2  }
0x8d: {  	s2 =	sadd.s32 s2, s17  }
0x8e: {  	[smem:$0x3FC2] =	sst s2  }
0x8f: {  	_ = 	snop  }
0x90: {  	s2 =	sld [smem:$0x3FD0];
	(tm) =	ssettm $0x1  }
0x91: {  	s18 =	sld [smem:$0x3FFB];
	_ =	sdelay $0x3  }
0x92: {  	_ =	strace s18  }
0x93: {  	s3 =	sld [smem:$0x3FFC];
	_ =	sdelay $0x3  }
0x94: {  	_ =	strace s3  }
0x95: {  	s3 =	sld [smem:$0x3FFD];
	_ =	sdelay $0x3  }
0x96: {  	_ =	strace s3  }
0x97: {  	_ =	strace $0x8FFFFFFF  }
0x98: {  	s19 =	sld [smem:$0x3FDB];
	_ =	sdelay $0x1  }
0x99: {  	s4 =	simm.s32 $_scs_section_size  }
0x9a: {  	s5 =	simm.s32 $_size__tile_overlayer_lowered;
	s6 =	simm.s32 $_tile_overlayer_lowered  }
0x9b: {  	s22 =	simm.s32 $0x1BFF;
	s21 =	sshll.u32 s6, $0x1;
	s3 =	sadd.s32 s4, s19  }
0x9c: {  	s7 =	simm.s32 $0x0;
	s20 =	sshll.u32 s5, $0x1;
	s5 =	sadd.s32 s21, s3  }
0x9d: {  	[timem:s7], [sflag:s22] =	dma.local [hbm:s5], s20  }
0x9e: {  	_ =	swait.ge [sflag:s22], s20  }
0x9f: {  	s4 =	ssub.s32 $0x0, s20;
	[sflag:s22] =	ssyncset.done $0x0  }
0xa0: {  	[sflag:s22] =	ssyncadd.s32 s4;
	_ =	sdelay $0x1  }
0xa1: {  	s23 =	simm.s32 $0x1B8B  }
0xa2: {  	_ =	swait.ge [sflag:s23], $0x1  }
0xa3: {  	[sflag:s23] =	ssyncset.done $0x0  }
0xa4: {  	s25 =	simm.s32 $0x1B8E;
	s24 =	sld [smem:$0x3FFE];
	[sflag:s23] =	ssyncadd.s32 $0xFFFFFFFF  }
0xa5: {  	s26 =	simm.s32 $execute0_lowered;
	[smem:$0x3FD2] =	sst s25  }
0xa6: {  	s5 =	sshll.u32 s26, $0x1;
	_ =	strace $0x80000049;
	[dreg:$0x1] =	wrdreg $0xFFFFFFFF  }
0xa7: {  	s28 =	simm.s32 $_size_execute0_lowered;
	s3 =	sadd.s32 s3, s5;
	[dreg:$0x0] =	wrdreg $0x0  }
0xa8: {  	s5 =	sshll.u32 s28, $0x1;
	[dreg:$0x2] =	wrdreg s3  }
0xa9: {  	[dreg:$0x3] =	wrdreg s5  }
0xaa: {  	[dreg:$0x4] =	wrdreg $0xC0  }
0xab: {  	_ =	task [dreg:s7], $0x5FFFF  }
0xac: {  	[dreg:$0x1] =	wrdreg $0xFFFFFFFF  }
0xad: {  	[dreg:$0x0] =	wrdreg $0x60  }
0xae: {  	[dreg:$0x2] =	wrdreg s24  }
0xaf: {  	[dreg:$0x3] =	wrdreg s2  }
0xb0: {  	[dreg:$0x4] =	wrdreg $0x9  }
0xb1: {  	_ =	task.clear_ibuf [dreg:s7], $0x5FFFF;
	_ =	strace $0x90000049  }
0xb2: {  	s29 =	simm.s32 $0x9;
	_ =	strace $0x8000004B  }
0xb3: {  	_ =	swait.ge [sflag:s29], $0x1  }
0xb4: {  	[sflag:s29] =	ssyncadd.s32 $0xFFFFFFFF  }
0xb5: {  	_ =	strace $0x9000004B  }
0xb6: {  	_ =	sfence  }
0xb7: {  	s30 =	sld [smem:$0x0];
	_ =	sdelay $0x2  }
0xb8: {  	s31 =	sshll.u32 s1, $0xD;
	s1 =	sshrl.u32 s1, $0x2  }
0xb9: {  	s3 =	sand.u32 $0x4000, s31;
	s1 =	sadd.s32 s1, s30  }
0xba: {  	s0 =	sor.u32 s3, s0;
	s1 =	sshll.u32 s1, $0x11  }
0xbb: {  	s0 =	sor.u32 s1, s0  }
0xbc: {  	s0 =	sadd.s32 $0x8F2B, s0  }
0xbd: {  	[sflag:s0] =	ssyncadd.remote.s32 $0x1  }
0xbe: {  	_ =	sfence.sel $0xFFFF  }
0xbf: {  	[dreg:$0x0] =	wrdreg $0xFFFFFFFF;
	(pc) =	sbr.abs _section_cstart, $3  }
0xc0: {  	[dreg:$0x1] =	wrdreg $0xFFFFFFFF  }
0xc1: {  	_ =	task.clear_ibuf [dreg:s7], $0x2FFFF;
	_ =	strace $0x9FFFFFFF  }
0xc2: {  	(tm) =	ssettm $0x7FFFFFFF  }
0xc3: {  	_ =	shalt  }
tec
execute0_lowered:
.L_overlay_start_1:
0x0: {  	(tag) =	ssettag $0x1  }
0x1: {  	s0 =	rddreg [dreg:$0x0]  }
0x2: {  	s1 =	rddreg [dreg:$0x1];
	s2 =	simm.s32 $0x0  }
0x3: {  	s3 =	srdreg.scid;
	s5 =	stileid.u32;
	s12 =	simm.s32 $0x18080  }
0x4: {  	s13 =	simm.s32 $0x800;
	s14 =	simm.s32 $0x1000;
	s15 =	simm.s32 $0x1800  }
0x5: {  	s16 =	simm.s32 $0x2000;
	s17 =	simm.s32 $0x2800;
	s18 =	simm.s32 $0x3000  }
0x6: {  	s19 =	simm.s32 $0x3800;
	s28 =	simm.s32 $0x7800;
	s29 =	simm.s32 $0x8000  }
0x7: {  	s30 =	simm.s32 $0x8800;
	s31 =	simm.s32 $0x9000;
	[smem:$0x7FF] =	sst s2  }
0x8: {  	s4 =	sand.u32 $0x1, s3;
	s3 =	sadd.s32 $0xF2800, s0;
	s5 =	sshll.u32 s5, $0x5  }
0x9: {  	s7 =	sadd.s32 $0x2600, s0;
	s8 =	sadd.s32 $0x2400, s0;
	s6 =	sshll.u32 s4, $0x4  }
0xa: {  	s20 =	sadd.s32 $0x2800, s0;
	s4 =	ssub.s32 $0x2, s4;
	s5 =	sor.u32 s6, s5  }
0xb: {  	_ =	strace $0x8000004A;
	s11 =	sshrl.u32 s4, $0x1;
	s9 =	sadd.s32 s7, s5  }
0xc: {  	s10 =	smul.u32 $0x300, s5;
	s21 =	sadd.s32 s8, s5;
	s5 =	sor.u32 $0x8, s5  }
0xd: {  	s25 =	ssub.s32 s4, s11;
	s4 =	sadd.s32 $0xF2900, s0;
	[dreg:$0x3] =	wrdreg s9  }
0xe: {  	s11 =	simm.s32 $0x18000;
	[dreg:$0x4] =	wrdreg s21;
	s7 =	sadd.s32 s7, s5  }
0xf: {  	s24 =	smul.u32 $0x300, s5;
	s5 =	sadd.s32 s8, s5;
	s6 =	smax.u32 s25, $0x1  }
0x10: {  	s8 =	simm.s32 $0x3;
	s9 =	simm.s32 $0x2;
	[dreg:$0x7] =	wrdreg s7  }
0x11: {  	s21 =	simm.s32 $0x4800;
	s22 =	sadd.s32 s1, s10;
	[dreg:$0x8] =	wrdreg s5  }
0x12: {  	s25 =	simm.s32 $0x6800;
	s23 =	sadd.s32 s20, s10;
	[dreg:$0x5] =	wrdreg s22  }
0x13: {  	s5 =	sadd.s32 $0xF2A00, s0;
	[dreg:$0x6] =	wrdreg s23;
	s1 =	sadd.s32 s1, s24  }
0x14: {  	v2 =	vlaneseq.u32;
	s26 =	sadd.s32 s20, s24;
	s20 =	simm.s32 $0x4000;
	s22 =	simm.s32 $0x5000  }
0x15: {  	vm0 =	vmmov $0xffff;
	v1 =	vshrl.u32 v2, $0x3;
	s23 =	simm.s32 $0x5800;
	s24 =	simm.s32 $0x6000;
	[dreg:$0x9] =	wrdreg s1  }
0x16: {  	v0 =	vand.u32 $0x7, v2;
	v2 =	vor.u32 $0x8, v2;
	v1 =	vmul.u32 $0x8, v1;
	[dreg:$0xa] =	wrdreg s26;
	s1 =	simm.s32 $0x1;
	s26 =	simm.s32 $0x7000  }
.LBB2_1:
0x17: {  	s10 =	rddreg [dreg:$0x3]  }
0x18: {  	[tilespmem:s11], [sflag:$0x3] =	stream.linear.gather [hbm4b:s10+s2], $0x40, $0x38;
	[tilespmem:$0x18100] =	vst v63  }
0x19: {  	_ =	swait.ge [sflag:s8], $0x40  }
0x1a: {  	[sflag:s8] =	ssyncset.done $0x0  }
0x1b: {  	s7 =	rddreg [dreg:$0x4];
	[sflag:s8] =	ssyncadd.s32 $0xFFFFFFC0  }
0x1c: {  	[tilespmem:s12], [sflag:$0x3] =	stream.linear.gather [hbm4b:s7+s2], $0x40, $0x38;
	[tilespmem:$0x18100] =	vst v63  }
0x1d: {  	_ =	swait.ge [sflag:s8], $0x40  }
0x1e: {  	[sflag:s8] =	ssyncset.done $0x0  }
0x1f: {  	[sflag:s8] =	ssyncadd.s32 $0xFFFFFFC0  }
0x20: {  	v3 =	vld [tilespmem:$0x18000];
	_ =	sdelay $0x4  }
0x21: {  	v4 =	vshrl.u32 v3, $0x3  }
0x22: {  	v4 =	vmul.u32 $0x30, v4  }
0x23: {  	v3 =	vand.u32 $0x7, v3  }
0x24: {  	v3 =	vor.u32 v3, v4  }
0x25: {  	v4 =	vperm.xlane v3, v0;
	_ =	sdelay $0x1  }
0x26: {  	v4 =	vadd.s32 v1, v4;
	_ =	sdelay $0x3  }
0x27: {  	v3 =	vperm.xlane v3, v2  }
0x28: {  	[tilespmem:s2], [sflag:$0x1] =	stream.indirect_vreg.gather [hbm4b:s3+s2], $0x80, v4, vm0, $0xb8;
	[tilespmem:$0x18100] =	vst v63  }
0x29: {  	v3 =	vadd.s32 v1, v3  }
0x2a: {  	[tilespmem:s13], [sflag:$0x1] =	stream.indirect_vreg.gather [hbm4b:s4+s2], $0x80, v4, vm0, $0xb8;
	[tilespmem:$0x18100] =	vst v63  }
0x2b: {  	_ = 	snop  }
0x2c: {  	[tilespmem:s14], [sflag:$0x1] =	stream.indirect_vreg.gather [hbm4b:s5+s2], $0x80, v4, vm0, $0xb8;
	[tilespmem:$0x18100] =	vst v63  }
0x2d: {  	_ = 	snop  }
0x2e: {  	[tilespmem:s15], [sflag:$0x1] =	stream.indirect_vreg.gather [hbm4b:s3+s2], $0x80, v3, vm0, $0xb8;
	[tilespmem:$0x18100] =	vst v63  }
0x2f: {  	_ = 	snop  }
0x30: {  	[tilespmem:s16], [sflag:$0x1] =	stream.indirect_vreg.gather [hbm4b:s4+s2], $0x80, v3, vm0, $0xb8;
	[tilespmem:$0x18100] =	vst v63  }
0x31: {  	_ = 	snop  }
0x32: {  	[tilespmem:s17], [sflag:$0x1] =	stream.indirect_vreg.gather [hbm4b:s5+s2], $0x80, v3, vm0, $0xb8;
	[tilespmem:$0x18100] =	vst v63  }
0x33: {  	v3 =	vld [tilespmem:$0x18010];
	_ =	sdelay $0x4  }
0x34: {  	v49 =	vshrl.u32 v3, $0x3  }
0x35: {  	v4 =	vmul.u32 $0x30, v49  }
0x36: {  	v3 =	vand.u32 $0x7, v3  }
0x37: {  	v3 =	vor.u32 v3, v4  }
0x38: {  	v4 =	vperm.xlane v3, v0;
	_ =	sdelay $0x1  }
0x39: {  	v4 =	vadd.s32 v1, v4;
	_ =	sdelay $0x3  }
0x3a: {  	v3 =	vperm.xlane v3, v2  }
0x3b: {  	[tilespmem:s18], [sflag:$0x1] =	stream.indirect_vreg.gather [hbm4b:s3+s2], $0x80, v4, vm0, $0xb8;
	[tilespmem:$0x18100] =	vst v63  }
0x3c: {  	v3 =	vadd.s32 v1, v3  }
0x3d: {  	[tilespmem:s19], [sflag:$0x1] =	stream.indirect_vreg.gather [hbm4b:s4+s2], $0x80, v4, vm0, $0xb8;
	[tilespmem:$0x18100] =	vst v63  }
0x3e: {  	_ = 	snop  }
0x3f: {  	[tilespmem:s20], [sflag:$0x1] =	stream.indirect_vreg.gather [hbm4b:s5+s2], $0x80, v4, vm0, $0xb8;
	[tilespmem:$0x18100] =	vst v63  }
0x40: {  	_ = 	snop  }
0x41: {  	[tilespmem:s21], [sflag:$0x1] =	stream.indirect_vreg.gather [hbm4b:s3+s2], $0x80, v3, vm0, $0xb8;
	[tilespmem:$0x18100] =	vst v63  }
0x42: {  	_ = 	snop  }
0x43: {  	[tilespmem:s22], [sflag:$0x1] =	stream.indirect_vreg.gather [hbm4b:s4+s2], $0x80, v3, vm0, $0xb8;
	[tilespmem:$0x18100] =	vst v63  }
0x44: {  	_ = 	snop  }
0x45: {  	[tilespmem:s23], [sflag:$0x1] =	stream.indirect_vreg.gather [hbm4b:s5+s2], $0x80, v3, vm0, $0xb8;
	[tilespmem:$0x18100] =	vst v63  }
0x46: {  	v3 =	vld [tilespmem:$0x18020];
	_ =	sdelay $0x4  }
0x47: {  	v50 =	vshrl.u32 v3, $0x3  }
0x48: {  	v4 =	vmul.u32 $0x30, v50  }
0x49: {  	v3 =	vand.u32 $0x7, v3  }
0x4a: {  	v3 =	vor.u32 v3, v4  }
0x4b: {  	v4 =	vperm.xlane v3, v0;
	_ =	sdelay $0x1  }
0x4c: {  	v4 =	vadd.s32 v1, v4;
	_ =	sdelay $0x3  }
0x4d: {  	v3 =	vperm.xlane v3, v2  }
0x4e: {  	[tilespmem:s24], [sflag:$0x1] =	stream.indirect_vreg.gather [hbm4b:s3+s2], $0x80, v4, vm0, $0xb8;
	[tilespmem:$0x18100] =	vst v63  }
0x4f: {  	v3 =	vadd.s32 v1, v3  }
0x50: {  	[tilespmem:s25], [sflag:$0x1] =	stream.indirect_vreg.gather [hbm4b:s4+s2], $0x80, v4, vm0, $0xb8;
	[tilespmem:$0x18100] =	vst v63  }
0x51: {  	_ = 	snop  }
0x52: {  	[tilespmem:s26], [sflag:$0x1] =	stream.indirect_vreg.gather [hbm4b:s5+s2], $0x80, v4, vm0, $0xb8;
	[tilespmem:$0x18100] =	vst v63  }
0x53: {  	_ = 	snop  }
0x54: {  	[tilespmem:s28], [sflag:$0x1] =	stream.indirect_vreg.gather [hbm4b:s3+s2], $0x80, v3, vm0, $0xb8;
	[tilespmem:$0x18100] =	vst v63  }
0x55: {  	_ = 	snop  }
0x56: {  	[tilespmem:s29], [sflag:$0x1] =	stream.indirect_vreg.gather [hbm4b:s4+s2], $0x80, v3, vm0, $0xb8;
	[tilespmem:$0x18100] =	vst v63  }
0x57: {  	_ = 	snop  }
0x58: {  	[tilespmem:s30], [sflag:$0x1] =	stream.indirect_vreg.gather [hbm4b:s5+s2], $0x80, v3, vm0, $0xb8;
	[tilespmem:$0x18100] =	vst v63  }
0x59: {  	v3 =	vld [tilespmem:$0x18030];
	_ =	sdelay $0x4  }
0x5a: {  	v51 =	vshrl.u32 v3, $0x3  }
0x5b: {  	v4 =	vmul.u32 $0x30, v51  }
0x5c: {  	v3 =	vand.u32 $0x7, v3  }
0x5d: {  	v3 =	vor.u32 v3, v4  }
0x5e: {  	v4 =	vperm.xlane v3, v0;
	_ =	sdelay $0x1  }
0x5f: {  	v4 =	vadd.s32 v1, v4;
	_ =	sdelay $0x3  }
0x60: {  	v3 =	vperm.xlane v3, v2  }
0x61: {  	[tilespmem:s31], [sflag:$0x1] =	stream.indirect_vreg.gather [hbm4b:s3+s2], $0x80, v4, vm0, $0xb8;
	[tilespmem:$0x18100] =	vst v63  }
0x62: {  	s0 =	simm.s32 $0x9800;
	v3 =	vadd.s32 v1, v3  }
0x63: {  	[tilespmem:s0], [sflag:$0x1] =	stream.indirect_vreg.gather [hbm4b:s4+s2], $0x80, v4, vm0, $0xb8;
	[tilespmem:$0x18100] =	vst v63  }
0x64: {  	s7 =	simm.s32 $0xA000  }
0x65: {  	[tilespmem:s7], [sflag:$0x1] =	stream.indirect_vreg.gather [hbm4b:s5+s2], $0x80, v4, vm0, $0xb8;
	[tilespmem:$0x18100] =	vst v63  }
0x66: {  	s10 =	simm.s32 $0xA800  }
0x67: {  	[tilespmem:s10], [sflag:$0x1] =	stream.indirect_vreg.gather [hbm4b:s3+s2], $0x80, v3, vm0, $0xb8;
	[tilespmem:$0x18100] =	vst v63  }
0x68: {  	s10 =	simm.s32 $0xB000  }
0x69: {  	[tilespmem:s10], [sflag:$0x1] =	stream.indirect_vreg.gather [hbm4b:s4+s2], $0x80, v3, vm0, $0xb8;
	[tilespmem:$0x18100] =	vst v63  }
0x6a: {  	s10 =	simm.s32 $0xB800  }
0x6b: {  	[tilespmem:s10], [sflag:$0x1] =	stream.indirect_vreg.gather [hbm4b:s5+s2], $0x80, v3, vm0, $0xb8;
	[tilespmem:$0x18100] =	vst v63  }
0x6c: {  	v3 =	vld [tilespmem:$0x18080];
	_ =	sdelay $0x4  }
0x6d: {  	v52 =	vshrl.u32 v3, $0x3  }
0x6e: {  	v4 =	vmul.u32 $0x30, v52  }
0x6f: {  	v3 =	vand.u32 $0x7, v3  }
0x70: {  	v3 =	vor.u32 v3, v4  }
0x71: {  	v4 =	vperm.xlane v3, v0;
	_ =	sdelay $0x1  }
0x72: {  	v4 =	vadd.s32 v1, v4;
	_ =	sdelay $0x3  }
0x73: {  	s0 =	simm.s32 $0xC000;
	v3 =	vperm.xlane v3, v2  }
0x74: {  	[tilespmem:s0], [sflag:$0x2] =	stream.indirect_vreg.gather [hbm4b:s3+s2], $0x80, v4, vm0, $0xb8;
	[tilespmem:$0x18100] =	vst v63  }
0x75: {  	s10 =	simm.s32 $0xC800;
	v3 =	vadd.s32 v1, v3  }
0x76: {  	[tilespmem:s10], [sflag:$0x2] =	stream.indirect_vreg.gather [hbm4b:s4+s2], $0x80, v4, vm0, $0xb8;
	[tilespmem:$0x18100] =	vst v63  }
0x77: {  	s10 =	simm.s32 $0xD000  }
0x78: {  	[tilespmem:s10], [sflag:$0x2] =	stream.indirect_vreg.gather [hbm4b:s5+s2], $0x80, v4, vm0, $0xb8;
	[tilespmem:$0x18100] =	vst v63  }
0x79: {  	s10 =	simm.s32 $0xD800  }
0x7a: {  	[tilespmem:s10], [sflag:$0x2] =	stream.indirect_vreg.gather [hbm4b:s3+s2], $0x80, v3, vm0, $0xb8;
	[tilespmem:$0x18100] =	vst v63  }
0x7b: {  	s10 =	simm.s32 $0xE000  }
0x7c: {  	[tilespmem:s10], [sflag:$0x2] =	stream.indirect_vreg.gather [hbm4b:s4+s2], $0x80, v3, vm0, $0xb8;
	[tilespmem:$0x18100] =	vst v63  }
0x7d: {  	s10 =	simm.s32 $0xE800  }
0x7e: {  	[tilespmem:s10], [sflag:$0x2] =	stream.indirect_vreg.gather [hbm4b:s5+s2], $0x80, v3, vm0, $0xb8;
	[tilespmem:$0x18100] =	vst v63  }
0x7f: {  	v3 =	vld [tilespmem:$0x18090];
	_ =	sdelay $0x4  }
0x80: {  	v53 =	vshrl.u32 v3, $0x3  }
0x81: {  	v4 =	vmul.u32 $0x30, v53  }
0x82: {  	v3 =	vand.u32 $0x7, v3  }
0x83: {  	v3 =	vor.u32 v3, v4  }
0x84: {  	v4 =	vperm.xlane v3, v0;
	_ =	sdelay $0x1  }
0x85: {  	v4 =	vadd.s32 v1, v4;
	_ =	sdelay $0x3  }
0x86: {  	s10 =	simm.s32 $0xF000;
	v3 =	vperm.xlane v3, v2  }
0x87: {  	[tilespmem:s10], [sflag:$0x2] =	stream.indirect_vreg.gather [hbm4b:s3+s2], $0x80, v4, vm0, $0xb8;
	[tilespmem:$0x18100] =	vst v63  }
0x88: {  	v3 =	vadd.s32 v1, v3;
	s10 =	simm.s32 $0xF800  }
0x89: {  	[tilespmem:s10], [sflag:$0x2] =	stream.indirect_vreg.gather [hbm4b:s4+s2], $0x80, v4, vm0, $0xb8;
	[tilespmem:$0x18100] =	vst v63  }
0x8a: {  	s10 =	simm.s32 $0x10000  }
0x8b: {  	[tilespmem:s10], [sflag:$0x2] =	stream.indirect_vreg.gather [hbm4b:s5+s2], $0x80, v4, vm0, $0xb8;
	[tilespmem:$0x18100] =	vst v63  }
0x8c: {  	s10 =	simm.s32 $0x10800  }
0x8d: {  	[tilespmem:s10], [sflag:$0x2] =	stream.indirect_vreg.gather [hbm4b:s3+s2], $0x80, v3, vm0, $0xb8;
	[tilespmem:$0x18100] =	vst v63  }
0x8e: {  	s10 =	simm.s32 $0x11000  }
0x8f: {  	[tilespmem:s10], [sflag:$0x2] =	stream.indirect_vreg.gather [hbm4b:s4+s2], $0x80, v3, vm0, $0xb8;
	[tilespmem:$0x18100] =	vst v63  }
0x90: {  	s10 =	simm.s32 $0x11800  }
0x91: {  	[tilespmem:s10], [sflag:$0x2] =	stream.indirect_vreg.gather [hbm4b:s5+s2], $0x80, v3, vm0, $0xb8;
	[tilespmem:$0x18100] =	vst v63  }
0x92: {  	v3 =	vld [tilespmem:$0x180A0];
	_ =	sdelay $0x4  }
0x93: {  	v54 =	vshrl.u32 v3, $0x3  }
0x94: {  	v4 =	vmul.u32 $0x30, v54  }
0x95: {  	v3 =	vand.u32 $0x7, v3  }
0x96: {  	v3 =	vor.u32 v3, v4  }
0x97: {  	v4 =	vperm.xlane v3, v0;
	_ =	sdelay $0x1  }
0x98: {  	v4 =	vadd.s32 v1, v4;
	_ =	sdelay $0x3  }
0x99: {  	s10 =	simm.s32 $0x12000;
	v3 =	vperm.xlane v3, v2  }
0x9a: {  	[tilespmem:s10], [sflag:$0x2] =	stream.indirect_vreg.gather [hbm4b:s3+s2], $0x80, v4, vm0, $0xb8;
	[tilespmem:$0x18100] =	vst v63  }
0x9b: {  	v3 =	vadd.s32 v1, v3;
	s10 =	simm.s32 $0x12800  }
0x9c: {  	[tilespmem:s10], [sflag:$0x2] =	stream.indirect_vreg.gather [hbm4b:s4+s2], $0x80, v4, vm0, $0xb8;
	[tilespmem:$0x18100] =	vst v63  }
0x9d: {  	s10 =	simm.s32 $0x13000  }
0x9e: {  	[tilespmem:s10], [sflag:$0x2] =	stream.indirect_vreg.gather [hbm4b:s5+s2], $0x80, v4, vm0, $0xb8;
	[tilespmem:$0x18100] =	vst v63  }
0x9f: {  	s10 =	simm.s32 $0x13800  }
0xa0: {  	[tilespmem:s10], [sflag:$0x2] =	stream.indirect_vreg.gather [hbm4b:s3+s2], $0x80, v3, vm0, $0xb8;
	[tilespmem:$0x18100] =	vst v63  }
0xa1: {  	s10 =	simm.s32 $0x14000  }
0xa2: {  	[tilespmem:s10], [sflag:$0x2] =	stream.indirect_vreg.gather [hbm4b:s4+s2], $0x80, v3, vm0, $0xb8;
	[tilespmem:$0x18100] =	vst v63  }
0xa3: {  	s10 =	simm.s32 $0x14800  }
0xa4: {  	[tilespmem:s10], [sflag:$0x2] =	stream.indirect_vreg.gather [hbm4b:s5+s2], $0x80, v3, vm0, $0xb8;
	[tilespmem:$0x18100] =	vst v63  }
0xa5: {  	v3 =	vld [tilespmem:$0x180B0];
	_ =	sdelay $0x4  }
0xa6: {  	v55 =	vshrl.u32 v3, $0x3  }
0xa7: {  	v4 =	vmul.u32 $0x30, v55  }
0xa8: {  	v3 =	vand.u32 $0x7, v3  }
0xa9: {  	v3 =	vor.u32 v3, v4  }
0xaa: {  	v4 =	vperm.xlane v3, v0;
	_ =	sdelay $0x1  }
0xab: {  	v4 =	vadd.s32 v1, v4;
	_ =	sdelay $0x3  }
0xac: {  	s10 =	simm.s32 $0x15000;
	v3 =	vperm.xlane v3, v2  }
0xad: {  	[tilespmem:s10], [sflag:$0x2] =	stream.indirect_vreg.gather [hbm4b:s3+s2], $0x80, v4, vm0, $0xb8;
	[tilespmem:$0x18100] =	vst v63  }
0xae: {  	v3 =	vadd.s32 v1, v3;
	s10 =	simm.s32 $0x15800  }
0xaf: {  	[tilespmem:s10], [sflag:$0x2] =	stream.indirect_vreg.gather [hbm4b:s4+s2], $0x80, v4, vm0, $0xb8;
	[tilespmem:$0x18100] =	vst v63  }
0xb0: {  	s10 =	simm.s32 $0x16000  }
0xb1: {  	[tilespmem:s10], [sflag:$0x2] =	stream.indirect_vreg.gather [hbm4b:s5+s2], $0x80, v4, vm0, $0xb8;
	[tilespmem:$0x18100] =	vst v63  }
0xb2: {  	s10 =	simm.s32 $0x16800  }
0xb3: {  	[tilespmem:s10], [sflag:$0x2] =	stream.indirect_vreg.gather [hbm4b:s3+s2], $0x80, v3, vm0, $0xb8;
	[tilespmem:$0x18100] =	vst v63  }
0xb4: {  	s10 =	simm.s32 $0x17000  }
0xb5: {  	[tilespmem:s10], [sflag:$0x2] =	stream.indirect_vreg.gather [hbm4b:s4+s2], $0x80, v3, vm0, $0xb8;
	[tilespmem:$0x18100] =	vst v63  }
0xb6: {  	s10 =	simm.s32 $0x17800  }
0xb7: {  	[tilespmem:s10], [sflag:$0x2] =	stream.indirect_vreg.gather [hbm4b:s5+s2], $0x80, v3, vm0, $0xb8;
	[tilespmem:$0x18100] =	vst v63  }
0xb8: {  	_ =	swait.ge [sflag:s1], $0xC000  }
0xb9: {  	[sflag:s1] =	ssyncset.done $0x0  }
0xba: {  	[sflag:s1] =	ssyncadd.s32 $0xFFFF4000  }
0xbb: {  	_ =	swait.ge [sflag:s9], $0xC000  }
0xbc: {  	[sflag:s9] =	ssyncset.done $0x0  }
0xbd: {  	s10 =	rddreg [dreg:$0x5];
	[sflag:s9] =	ssyncadd.s32 $0xFFFF4000  }
0xbe: {  	[hbm4b:s10+s2] =	stream.linear.scatter [tilespmem:s2], [sflag:$0x3], $0xC000, $0x38;
	[tilespmem:$0x18100] =	vst v63  }
0xbf: {  	_ =	swait.ge [sflag:s8], $0xC000  }
0xc0: {  	[sflag:s8] =	ssyncset.done $0x0  }
0xc1: {  	s10 =	rddreg [dreg:$0x6];
	[sflag:s8] =	ssyncadd.s32 $0xFFFF4000  }
0xc2: {  	[hbm4b:s10+s2] =	stream.linear.scatter [tilespmem:s0], [sflag:$0x3], $0xC000, $0x38;
	[tilespmem:$0x18100] =	vst v63  }
0xc3: {  	_ =	swait.ge [sflag:s8], $0xC000  }
0xc4: {  	[sflag:s8] =	ssyncset.done $0x0  }
0xc5: {  	s10 =	rddreg [dreg:$0x7];
	[sflag:s8] =	ssyncadd.s32 $0xFFFF4000  }
0xc6: {  	[tilespmem:s11], [sflag:$0x3] =	stream.linear.gather [hbm4b:s10+s2], $0x40, $0x38;
	[tilespmem:$0x18100] =	vst v63  }
0xc7: {  	_ =	swait.ge [sflag:s8], $0x40  }
0xc8: {  	[sflag:s8] =	ssyncset.done $0x0  }
0xc9: {  	s10 =	rddreg [dreg:$0x8];
	[sflag:s8] =	ssyncadd.s32 $0xFFFFFFC0  }
0xca: {  	[tilespmem:s12], [sflag:$0x3] =	stream.linear.gather [hbm4b:s10+s2], $0x40, $0x38;
	[tilespmem:$0x18100] =	vst v63  }
0xcb: {  	_ =	swait.ge [sflag:s8], $0x40  }
0xcc: {  	[sflag:s8] =	ssyncset.done $0x0  }
0xcd: {  	[sflag:s8] =	ssyncadd.s32 $0xFFFFFFC0  }
0xce: {  	v3 =	vld [tilespmem:$0x18000];
	_ =	sdelay $0x4  }
0xcf: {  	v56 =	vshrl.u32 v3, $0x3  }
0xd0: {  	v4 =	vmul.u32 $0x30, v56  }
0xd1: {  	v3 =	vand.u32 $0x7, v3  }
0xd2: {  	v3 =	vor.u32 v3, v4  }
0xd3: {  	v4 =	vperm.xlane v3, v0;
	_ =	sdelay $0x1  }
0xd4: {  	v4 =	vadd.s32 v1, v4;
	_ =	sdelay $0x3  }
0xd5: {  	v3 =	vperm.xlane v3, v2  }
0xd6: {  	[tilespmem:s2], [sflag:$0x1] =	stream.indirect_vreg.gather [hbm4b:s3+s2], $0x80, v4, vm0, $0xb8;
	[tilespmem:$0x18100] =	vst v63  }
0xd7: {  	v3 =	vadd.s32 v1, v3  }
0xd8: {  	[tilespmem:s13], [sflag:$0x1] =	stream.indirect_vreg.gather [hbm4b:s4+s2], $0x80, v4, vm0, $0xb8;
	[tilespmem:$0x18100] =	vst v63  }
0xd9: {  	_ = 	snop  }
0xda: {  	[tilespmem:s14], [sflag:$0x1] =	stream.indirect_vreg.gather [hbm4b:s5+s2], $0x80, v4, vm0, $0xb8;
	[tilespmem:$0x18100] =	vst v63  }
0xdb: {  	_ = 	snop  }
0xdc: {  	[tilespmem:s15], [sflag:$0x1] =	stream.indirect_vreg.gather [hbm4b:s3+s2], $0x80, v3, vm0, $0xb8;
	[tilespmem:$0x18100] =	vst v63  }
0xdd: {  	_ = 	snop  }
0xde: {  	[tilespmem:s16], [sflag:$0x1] =	stream.indirect_vreg.gather [hbm4b:s4+s2], $0x80, v3, vm0, $0xb8;
	[tilespmem:$0x18100] =	vst v63  }
0xdf: {  	_ = 	snop  }
0xe0: {  	[tilespmem:s17], [sflag:$0x1] =	stream.indirect_vreg.gather [hbm4b:s5+s2], $0x80, v3, vm0, $0xb8;
	[tilespmem:$0x18100] =	vst v63  }
0xe1: {  	v3 =	vld [tilespmem:$0x18010];
	_ =	sdelay $0x4  }
0xe2: {  	v57 =	vshrl.u32 v3, $0x3  }
0xe3: {  	v4 =	vmul.u32 $0x30, v57  }
0xe4: {  	v3 =	vand.u32 $0x7, v3  }
0xe5: {  	v3 =	vor.u32 v3, v4  }
0xe6: {  	v4 =	vperm.xlane v3, v0;
	_ =	sdelay $0x1  }
0xe7: {  	v4 =	vadd.s32 v1, v4;
	_ =	sdelay $0x3  }
0xe8: {  	v3 =	vperm.xlane v3, v2  }
0xe9: {  	[tilespmem:s18], [sflag:$0x1] =	stream.indirect_vreg.gather [hbm4b:s3+s2], $0x80, v4, vm0, $0xb8;
	[tilespmem:$0x18100] =	vst v63  }
0xea: {  	v3 =	vadd.s32 v1, v3  }
0xeb: {  	[tilespmem:s19], [sflag:$0x1] =	stream.indirect_vreg.gather [hbm4b:s4+s2], $0x80, v4, vm0, $0xb8;
	[tilespmem:$0x18100] =	vst v63  }
0xec: {  	_ = 	snop  }
0xed: {  	[tilespmem:s20], [sflag:$0x1] =	stream.indirect_vreg.gather [hbm4b:s5+s2], $0x80, v4, vm0, $0xb8;
	[tilespmem:$0x18100] =	vst v63  }
0xee: {  	_ = 	snop  }
0xef: {  	[tilespmem:s21], [sflag:$0x1] =	stream.indirect_vreg.gather [hbm4b:s3+s2], $0x80, v3, vm0, $0xb8;
	[tilespmem:$0x18100] =	vst v63  }
0xf0: {  	_ = 	snop  }
0xf1: {  	[tilespmem:s22], [sflag:$0x1] =	stream.indirect_vreg.gather [hbm4b:s4+s2], $0x80, v3, vm0, $0xb8;
	[tilespmem:$0x18100] =	vst v63  }
0xf2: {  	_ = 	snop  }
0xf3: {  	[tilespmem:s23], [sflag:$0x1] =	stream.indirect_vreg.gather [hbm4b:s5+s2], $0x80, v3, vm0, $0xb8;
	[tilespmem:$0x18100] =	vst v63  }
0xf4: {  	v3 =	vld [tilespmem:$0x18020];
	_ =	sdelay $0x4  }
0xf5: {  	v58 =	vshrl.u32 v3, $0x3  }
0xf6: {  	v4 =	vmul.u32 $0x30, v58  }
0xf7: {  	v3 =	vand.u32 $0x7, v3  }
0xf8: {  	v3 =	vor.u32 v3, v4  }
0xf9: {  	v4 =	vperm.xlane v3, v0;
	_ =	sdelay $0x1  }
0xfa: {  	v4 =	vadd.s32 v1, v4;
	_ =	sdelay $0x3  }
0xfb: {  	v3 =	vperm.xlane v3, v2  }
0xfc: {  	[tilespmem:s24], [sflag:$0x1] =	stream.indirect_vreg.gather [hbm4b:s3+s2], $0x80, v4, vm0, $0xb8;
	[tilespmem:$0x18100] =	vst v63  }
0xfd: {  	v3 =	vadd.s32 v1, v3  }
0xfe: {  	[tilespmem:s25], [sflag:$0x1] =	stream.indirect_vreg.gather [hbm4b:s4+s2], $0x80, v4, vm0, $0xb8;
	[tilespmem:$0x18100] =	vst v63  }
0xff: {  	_ = 	snop  }
0x100: {  	[tilespmem:s26], [sflag:$0x1] =	stream.indirect_vreg.gather [hbm4b:s5+s2], $0x80, v4, vm0, $0xb8;
	[tilespmem:$0x18100] =	vst v63  }
0x101: {  	_ = 	snop  }
0x102: {  	[tilespmem:s28], [sflag:$0x1] =	stream.indirect_vreg.gather [hbm4b:s3+s2], $0x80, v3, vm0, $0xb8;
	[tilespmem:$0x18100] =	vst v63  }
0x103: {  	_ = 	snop  }
0x104: {  	[tilespmem:s29], [sflag:$0x1] =	stream.indirect_vreg.gather [hbm4b:s4+s2], $0x80, v3, vm0, $0xb8;
	[tilespmem:$0x18100] =	vst v63  }
0x105: {  	_ = 	snop  }
0x106: {  	[tilespmem:s30], [sflag:$0x1] =	stream.indirect_vreg.gather [hbm4b:s5+s2], $0x80, v3, vm0, $0xb8;
	[tilespmem:$0x18100] =	vst v63  }
0x107: {  	v3 =	vld [tilespmem:$0x18030];
	_ =	sdelay $0x4  }
0x108: {  	v59 =	vshrl.u32 v3, $0x3  }
0x109: {  	v4 =	vmul.u32 $0x30, v59  }
0x10a: {  	v3 =	vand.u32 $0x7, v3  }
0x10b: {  	v3 =	vor.u32 v3, v4  }
0x10c: {  	v4 =	vperm.xlane v3, v0;
	_ =	sdelay $0x1  }
0x10d: {  	v4 =	vadd.s32 v1, v4;
	_ =	sdelay $0x3  }
0x10e: {  	v3 =	vperm.xlane v3, v2  }
0x10f: {  	[tilespmem:s31], [sflag:$0x1] =	stream.indirect_vreg.gather [hbm4b:s3+s2], $0x80, v4, vm0, $0xb8;
	[tilespmem:$0x18100] =	vst v63  }
0x110: {  	s10 =	simm.s32 $0x9800;
	v3 =	vadd.s32 v1, v3  }
0x111: {  	[tilespmem:s10], [sflag:$0x1] =	stream.indirect_vreg.gather [hbm4b:s4+s2], $0x80, v4, vm0, $0xb8;
	[tilespmem:$0x18100] =	vst v63  }
0x112: {  	_ = 	snop  }
0x113: {  	[tilespmem:s7], [sflag:$0x1] =	stream.indirect_vreg.gather [hbm4b:s5+s2], $0x80, v4, vm0, $0xb8;
	[tilespmem:$0x18100] =	vst v63  }
0x114: {  	s10 =	simm.s32 $0xA800  }
0x115: {  	[tilespmem:s10], [sflag:$0x1] =	stream.indirect_vreg.gather [hbm4b:s3+s2], $0x80, v3, vm0, $0xb8;
	[tilespmem:$0x18100] =	vst v63  }
0x116: {  	s10 =	simm.s32 $0xB000  }
0x117: {  	[tilespmem:s10], [sflag:$0x1] =	stream.indirect_vreg.gather [hbm4b:s4+s2], $0x80, v3, vm0, $0xb8;
	[tilespmem:$0x18100] =	vst v63  }
0x118: {  	s10 =	simm.s32 $0xB800  }
0x119: {  	[tilespmem:s10], [sflag:$0x1] =	stream.indirect_vreg.gather [hbm4b:s5+s2], $0x80, v3, vm0, $0xb8;
	[tilespmem:$0x18100] =	vst v63  }
0x11a: {  	v3 =	vld [tilespmem:$0x18080];
	_ =	sdelay $0x4  }
0x11b: {  	v60 =	vshrl.u32 v3, $0x3  }
0x11c: {  	v4 =	vmul.u32 $0x30, v60  }
0x11d: {  	v3 =	vand.u32 $0x7, v3  }
0x11e: {  	v3 =	vor.u32 v3, v4  }
0x11f: {  	v4 =	vperm.xlane v3, v0;
	_ =	sdelay $0x1  }
0x120: {  	v4 =	vadd.s32 v1, v4;
	_ =	sdelay $0x3  }
0x121: {  	v3 =	vperm.xlane v3, v2  }
0x122: {  	[tilespmem:s0], [sflag:$0x2] =	stream.indirect_vreg.gather [hbm4b:s3+s2], $0x80, v4, vm0, $0xb8;
	[tilespmem:$0x18100] =	vst v63  }
0x123: {  	s10 =	simm.s32 $0xC800;
	v3 =	vadd.s32 v1, v3  }
0x124: {  	[tilespmem:s10], [sflag:$0x2] =	stream.indirect_vreg.gather [hbm4b:s4+s2], $0x80, v4, vm0, $0xb8;
	[tilespmem:$0x18100] =	vst v63  }
0x125: {  	s10 =	simm.s32 $0xD000  }
0x126: {  	[tilespmem:s10], [sflag:$0x2] =	stream.indirect_vreg.gather [hbm4b:s5+s2], $0x80, v4, vm0, $0xb8;
	[tilespmem:$0x18100] =	vst v63  }
0x127: {  	s10 =	simm.s32 $0xD800  }
0x128: {  	[tilespmem:s10], [sflag:$0x2] =	stream.indirect_vreg.gather [hbm4b:s3+s2], $0x80, v3, vm0, $0xb8;
	[tilespmem:$0x18100] =	vst v63  }
0x129: {  	s10 =	simm.s32 $0xE000  }
0x12a: {  	[tilespmem:s10], [sflag:$0x2] =	stream.indirect_vreg.gather [hbm4b:s4+s2], $0x80, v3, vm0, $0xb8;
	[tilespmem:$0x18100] =	vst v63  }
0x12b: {  	s10 =	simm.s32 $0xE800  }
0x12c: {  	[tilespmem:s10], [sflag:$0x2] =	stream.indirect_vreg.gather [hbm4b:s5+s2], $0x80, v3, vm0, $0xb8;
	[tilespmem:$0x18100] =	vst v63  }
0x12d: {  	v3 =	vld [tilespmem:$0x18090];
	_ =	sdelay $0x4  }
0x12e: {  	v61 =	vshrl.u32 v3, $0x3  }
0x12f: {  	v4 =	vmul.u32 $0x30, v61  }
0x130: {  	v3 =	vand.u32 $0x7, v3  }
0x131: {  	v3 =	vor.u32 v3, v4  }
0x132: {  	v4 =	vperm.xlane v3, v0;
	_ =	sdelay $0x1  }
0x133: {  	v4 =	vadd.s32 v1, v4;
	_ =	sdelay $0x3  }
0x134: {  	s10 =	simm.s32 $0xF000;
	v3 =	vperm.xlane v3, v2  }
0x135: {  	[tilespmem:s10], [sflag:$0x2] =	stream.indirect_vreg.gather [hbm4b:s3+s2], $0x80, v4, vm0, $0xb8;
	[tilespmem:$0x18100] =	vst v63  }
0x136: {  	v3 =	vadd.s32 v1, v3;
	s10 =	simm.s32 $0xF800  }
0x137: {  	[tilespmem:s10], [sflag:$0x2] =	stream.indirect_vreg.gather [hbm4b:s4+s2], $0x80, v4, vm0, $0xb8;
	[tilespmem:$0x18100] =	vst v63  }
0x138: {  	s10 =	simm.s32 $0x10000  }
0x139: {  	[tilespmem:s10], [sflag:$0x2] =	stream.indirect_vreg.gather [hbm4b:s5+s2], $0x80, v4, vm0, $0xb8;
	[tilespmem:$0x18100] =	vst v63  }
0x13a: {  	s10 =	simm.s32 $0x10800  }
0x13b: {  	[tilespmem:s10], [sflag:$0x2] =	stream.indirect_vreg.gather [hbm4b:s3+s2], $0x80, v3, vm0, $0xb8;
	[tilespmem:$0x18100] =	vst v63  }
0x13c: {  	s10 =	simm.s32 $0x11000  }
0x13d: {  	[tilespmem:s10], [sflag:$0x2] =	stream.indirect_vreg.gather [hbm4b:s4+s2], $0x80, v3, vm0, $0xb8;
	[tilespmem:$0x18100] =	vst v63  }
0x13e: {  	s10 =	simm.s32 $0x11800  }
0x13f: {  	[tilespmem:s10], [sflag:$0x2] =	stream.indirect_vreg.gather [hbm4b:s5+s2], $0x80, v3, vm0, $0xb8;
	[tilespmem:$0x18100] =	vst v63  }
0x140: {  	v3 =	vld [tilespmem:$0x180A0];
	_ =	sdelay $0x4  }
0x141: {  	v62 =	vshrl.u32 v3, $0x3  }
0x142: {  	v4 =	vmul.u32 $0x30, v62  }
0x143: {  	v3 =	vand.u32 $0x7, v3  }
0x144: {  	v3 =	vor.u32 v3, v4  }
0x145: {  	v4 =	vperm.xlane v3, v0;
	_ =	sdelay $0x1  }
0x146: {  	v4 =	vadd.s32 v1, v4;
	_ =	sdelay $0x3  }
0x147: {  	s10 =	simm.s32 $0x12000;
	v3 =	vperm.xlane v3, v2  }
0x148: {  	[tilespmem:s10], [sflag:$0x2] =	stream.indirect_vreg.gather [hbm4b:s3+s2], $0x80, v4, vm0, $0xb8;
	[tilespmem:$0x18100] =	vst v63  }
0x149: {  	v3 =	vadd.s32 v1, v3;
	s10 =	simm.s32 $0x12800  }
0x14a: {  	[tilespmem:s10], [sflag:$0x2] =	stream.indirect_vreg.gather [hbm4b:s4+s2], $0x80, v4, vm0, $0xb8;
	[tilespmem:$0x18100] =	vst v63  }
0x14b: {  	s10 =	simm.s32 $0x13000  }
0x14c: {  	[tilespmem:s10], [sflag:$0x2] =	stream.indirect_vreg.gather [hbm4b:s5+s2], $0x80, v4, vm0, $0xb8;
	[tilespmem:$0x18100] =	vst v63  }
0x14d: {  	s10 =	simm.s32 $0x13800  }
0x14e: {  	[tilespmem:s10], [sflag:$0x2] =	stream.indirect_vreg.gather [hbm4b:s3+s2], $0x80, v3, vm0, $0xb8;
	[tilespmem:$0x18100] =	vst v63  }
0x14f: {  	s10 =	simm.s32 $0x14000  }
0x150: {  	[tilespmem:s10], [sflag:$0x2] =	stream.indirect_vreg.gather [hbm4b:s4+s2], $0x80, v3, vm0, $0xb8;
	[tilespmem:$0x18100] =	vst v63  }
0x151: {  	s10 =	simm.s32 $0x14800  }
0x152: {  	[tilespmem:s10], [sflag:$0x2] =	stream.indirect_vreg.gather [hbm4b:s5+s2], $0x80, v3, vm0, $0xb8;
	[tilespmem:$0x18100] =	vst v63  }
0x153: {  	v3 =	vld [tilespmem:$0x180B0];
	_ =	sdelay $0x4  }
0x154: {  	v63 =	vshrl.u32 v3, $0x3  }
0x155: {  	v4 =	vmul.u32 $0x30, v63  }
0x156: {  	v3 =	vand.u32 $0x7, v3  }
0x157: {  	v3 =	vor.u32 v3, v4  }
0x158: {  	v4 =	vperm.xlane v3, v0;
	_ =	sdelay $0x1  }
0x159: {  	v4 =	vadd.s32 v1, v4;
	_ =	sdelay $0x3  }
0x15a: {  	s10 =	simm.s32 $0x15000;
	v3 =	vperm.xlane v3, v2  }
0x15b: {  	[tilespmem:s10], [sflag:$0x2] =	stream.indirect_vreg.gather [hbm4b:s3+s2], $0x80, v4, vm0, $0xb8;
	[tilespmem:$0x18100] =	vst v63  }
0x15c: {  	v3 =	vadd.s32 v1, v3;
	s10 =	simm.s32 $0x15800  }
0x15d: {  	[tilespmem:s10], [sflag:$0x2] =	stream.indirect_vreg.gather [hbm4b:s4+s2], $0x80, v4, vm0, $0xb8;
	[tilespmem:$0x18100] =	vst v63  }
0x15e: {  	s10 =	simm.s32 $0x16000  }
0x15f: {  	[tilespmem:s10], [sflag:$0x2] =	stream.indirect_vreg.gather [hbm4b:s5+s2], $0x80, v4, vm0, $0xb8;
	[tilespmem:$0x18100] =	vst v63  }
0x160: {  	s10 =	simm.s32 $0x16800  }
0x161: {  	[tilespmem:s10], [sflag:$0x2] =	stream.indirect_vreg.gather [hbm4b:s3+s2], $0x80, v3, vm0, $0xb8;
	[tilespmem:$0x18100] =	vst v63  }
0x162: {  	s10 =	simm.s32 $0x17000  }
0x163: {  	[tilespmem:s10], [sflag:$0x2] =	stream.indirect_vreg.gather [hbm4b:s4+s2], $0x80, v3, vm0, $0xb8;
	[tilespmem:$0x18100] =	vst v63  }
0x164: {  	s10 =	simm.s32 $0x17800  }
0x165: {  	[tilespmem:s10], [sflag:$0x2] =	stream.indirect_vreg.gather [hbm4b:s5+s2], $0x80, v3, vm0, $0xb8;
	[tilespmem:$0x18100] =	vst v63  }
0x166: {  	_ =	swait.ge [sflag:s1], $0xC000  }
0x167: {  	[sflag:s1] =	ssyncset.done $0x0  }
0x168: {  	[sflag:s1] =	ssyncadd.s32 $0xFFFF4000  }
0x169: {  	_ =	swait.ge [sflag:s9], $0xC000  }
0x16a: {  	[sflag:s9] =	ssyncset.done $0x0  }
0x16b: {  	s7 =	rddreg [dreg:$0x9];
	[sflag:s9] =	ssyncadd.s32 $0xFFFF4000  }
0x16c: {  	[hbm4b:s7+s2] =	stream.linear.scatter [tilespmem:s2], [sflag:$0x3], $0xC000, $0x38;
	[tilespmem:$0x18100] =	vst v63  }
0x16d: {  	_ =	swait.ge [sflag:s8], $0xC000  }
0x16e: {  	p0 =	sne.s32 s6, $0x1;
	[sflag:s8] =	ssyncset.done $0x0  }
.Ltmp0:
0x16f: {  	s7 =	rddreg [dreg:$0xa];
	[sflag:s8] =	ssyncadd.s32 $0xFFFF4000;
	(pc) =	sbr.rel @p0 .LBB2_1-.Ltmp0, $4  }
0x170: {  	[hbm4b:s7+s2] =	stream.linear.scatter [tilespmem:s0], [sflag:$0x3], $0xC000, $0x38;
	[tilespmem:$0x18100] =	vst v63  }
0x171: {  	_ =	swait.ge [sflag:s8], $0xC000  }
0x172: {  	[sflag:s8] =	ssyncset.done $0x0  }
0x173: {  	s6 =	sadd.s32 $0xFFFFFFFF, s6;
	[sflag:s8] =	ssyncadd.s32 $0xFFFF4000  }
0x174: {  	_ =	sfence.sel $0x180000  }
0x175: {  	[bflag:$0x0] =	sbarrier.arrive $0xFFFF  }
0x176: {  	_ =	strace $0x9000004A  }
0x177: {  	s0 =	stileid.u32;
	[bflag:$0x2] =	sbarrier.arrive $0xFFFF  }
0x178: {  	p0 =	sne.s32 s0, $0x0;
	s0 =	rddreg [dreg:$0x2]  }
0x179: {  	s0 =	sadd.s32 @!p0 $0x100000, s0  }
0x17a: {  	[sflag:s0] =	ssyncadd.tile.s32 @!p0 $0x1;
	_ =	shalt  }
.Lfunc_end2:
_tile_overlayer_lowered:
.L_overlay_start_2:
0x17b: {  	(tag) =	ssettag $0x2  }
0x17c: {  	s0 =	rddreg [dreg:$0x0];
	s2 =	stileid.u32  }
0x17d: {  	s1 =	rddreg [dreg:$0x1];
	p0 =	sne.s32 s2, $0x0  }
0x17e: {  	s3 =	rddreg [dreg:$0x2];
	[bflag:$0x3] =	sbarrier.arrive $0xFFFF;
	s2 =	simm.s32 @!p0 $0x1C03  }
0x17f: {  	[timem:s3], [sflag:s2] =	dma.local @!p0 [hbm:s0], s1  }
0x180: {  	s0 =	simm.s32 @!p0 $0x3  }
0x181: {  	_ =	swait.ge @!p0 [sflag:s0], s1  }
0x182: {  	s1 =	ssub.s32 @!p0 $0x0, s1;
	[sflag:s0] =	ssyncset.done @!p0 $0x0  }
0x183: {  	[sflag:s0] =	ssyncadd.s32 @!p0 s1  }
0x184: {  	[bflag:$0x3] =	sbarrier.arrive $0xFFFF  }
0x185: {  	_ =	shalt  }

// kernel: kernel.7.cloned.1.call-start
scs
__scs_entry_jumppad:
0x0: {  	(pc) =	sbr.rel $0x88, $3  }
0x1: {  	(tag) =	ssettag $0x0;
	lr =	simm.s32 $0x1  }
0x2: {  	[smem:$0x3F9B] =	sst lr;
	_ =	strace $0xD0000000  }
0x3: {  	_ = 	snop  }
0x4: {  	_ = 	snop  }
0x5: {  	_ = 	snop  }
0x6: {  	_ = 	snop  }
0x7: {  	_ = 	snop  }
__scs_overlays_trampoline_lowered:
0x8: {  	[smem:$0x3FAA] =	sst s0  }
0x9: {  	[smem:$0x3FAB] =	sst s1  }
0xa: {  	[smem:$0x3FAC] =	sst s2  }
0xb: {  	[smem:$0x3FAD] =	sst s3  }
0xc: {  	[smem:$0x3FAE] =	sst s4  }
0xd: {  	[smem:$0x3FAF] =	sst s5  }
0xe: {  	[smem:$0x3FB0] =	sst s6  }
0xf: {  	[smem:$0x3FB1] =	sst s7  }
0x10: {  	[smem:$0x3FB2] =	sst s8  }
0x11: {  	[smem:$0x3FB3] =	sst s9;
	s0 =	simm.s32 @!p0 $0x0  }
0x12: {  	s1 =	sld [smem:$0x3F99];
	s0 =	simm.s32 @p0 $0x1  }
0x13: {  	[smem:$0x3FB4] =	sst s0;
	s0 =	simm.s32 @!p1 $0x0  }
0x14: {  	s2 =	sld [smem:$0x3F98];
	s0 =	simm.s32 @p1 $0x1  }
0x15: {  	[smem:$0x3FB5] =	sst s0;
	s0 =	simm.s32 @!p2 $0x0  }
0x16: {  	s3 =	sld [smem:$0x3FDB];
	s0 =	simm.s32 @p2 $0x1  }
0x17: {  	s4 =	simm.s32 $0x1BF5;
	[smem:$0x3FB7] =	sst s0  }
0x18: {  	s0 =	sld [smem:$0x3F9A];
	_ =	swait.ge [sflag:s4], $0x0  }
0x19: {  	s7 =	sld [smem:$0x3F9B]  }
0x1a: {  	s8 =	sadd.s32 $0xFFFFE003, lr  }
0x1b: {  	s9 =	sadd.s32 $0xFFFFFEF7, lr;
	s5 =	simm.s32 $0xFFFFFFFF;
	p2 =	slt.u32 s8, $0xFFFFF086  }
0x1c: {  	p1 =	slt.u32 s9, $0xF7A;
	s5 =	simm.s32 @!p2 $0x0  }
0x1d: {  	s5 =	simm.s32 @p1 $0x1;
	p0 =	seq.s32 s7, s2  }
0x1e: {  	s7 =	smul.u32 @!p0 $0xF7A, s2;
	p2 =	seq.s32 @!p0 s5, $0x0  }
0x1f: {  	s9 =	smul.u32 $0xF7A, s1;
	s8 =	simm.s32 @!p0 $0x1BF5;
	p2 =	por !p2, p0  }
0x20: {  	[sflag:s8] =	ssyncset.s32 @!p0 $0xFFFFF086;
	s6 =	sadd.s32 @!p0 s3, s7;
	s7 =	simm.s32 @!p0 $0x108  }
0x21: {  	s3 =	sadd.s32 s3, s9;
	s6 =	sadd.s32 @!p0 $0x88, s6;
	s7 =	simm.s32 @p2 $0x1082  }
0x22: {  	[simem:s7], [sflag:s8] =	dma.local @!p0 [hbm:s6], $0xF7A  }
0x23: {  	s9 =	sor.u32 $0xD0000000, s2;
	s6 =	simm.s32 $0x108;
	_ =	swait.ge @!p0 [sflag:s8], $0x0  }
0x24: {  	s3 =	sadd.s32 $0x88, s3;
	s6 =	simm.s32 @!p1 $0x1082;
	[sflag:s4] =	ssyncset.s32 $0xFFFFF086  }
0x25: {  	[simem:s6], [sflag:s4] =	dma.local [hbm:s3], $0xF7A  }
0x26: {  	[smem:$0x3F9B] =	sst s1;
	(tag) =	ssettag s2;
	_ =	strace s9  }
0x27: {  	s1 =	sld [smem:$0x3FAB]  }
0x28: {  	s2 =	sld [smem:$0x3FAC]  }
0x29: {  	s4 =	sld [smem:$0x3FAE]  }
0x2a: {  	p0 =	seq.s32 s5, $0x0;
	s5 =	sld [smem:$0x3FAF]  }
0x2b: {  	s6 =	sld [smem:$0x3FB0]  }
0x2c: {  	s7 =	sld [smem:$0x3FB1]  }
0x2d: {  	s3 =	simm.s32 $0x108;
	s8 =	sld [smem:$0x3FB2]  }
0x2e: {  	s3 =	simm.s32 @!p0 $0x1082;
	s9 =	sld [smem:$0x3FB3]  }
0x2f: {  	lr =	sadd.s32 s0, s3;
	s0 =	sld [smem:$0x3FAA]  }
0x30: {  	s3 =	sld [smem:$0x3FAD]  }
0x31: {  	[smem:$0x3FB6] =	sst s10  }
0x32: {  	s10 =	sld [smem:$0x3FB4];
	_ =	sdelay $0x3  }
0x33: {  	p0 =	seq.s32 s10, $0x1;
	s10 =	sld [smem:$0x3FB6];
	_ =	sdelay $0x3  }
0x34: {  	[smem:$0x3FB6] =	sst s10  }
0x35: {  	s10 =	sld [smem:$0x3FB5];
	_ =	sdelay $0x3  }
0x36: {  	p1 =	seq.s32 s10, $0x1;
	s10 =	sld [smem:$0x3FB6];
	_ =	sdelay $0x3  }
0x37: {  	[smem:$0x3FB6] =	sst s10  }
0x38: {  	s10 =	sld [smem:$0x3FB7]  }
0x39: {  	_ = 	snop;
	(pc) =	sbr.ind lr, $3  }
0x3a: {  	_ = 	snop  }
0x3b: {  	_ = 	snop  }
0x3c: {  	p2 =	seq.s32 s10, $0x1;
	s10 =	sld [smem:$0x3FB6]  }
0x3d: {  	_ =	shalt  }
0x3e: {  	_ =	shalt  }
0x3f: {  	_ =	shalt  }
0x40: {  	_ =	shalt  }
0x41: {  	_ =	shalt  }
0x42: {  	_ =	shalt  }
0x43: {  	_ =	shalt  }
0x44: {  	_ =	shalt  }
0x45: {  	_ =	shalt  }
0x46: {  	_ =	shalt  }
0x47: {  	_ =	shalt  }
0x48: {  	_ =	shalt  }
0x49: {  	_ =	shalt  }
0x4a: {  	_ =	shalt  }
0x4b: {  	_ =	shalt  }
0x4c: {  	_ =	shalt  }
0x4d: {  	_ =	shalt  }
0x4e: {  	_ =	shalt  }
0x4f: {  	_ =	shalt  }
0x50: {  	_ =	shalt  }
0x51: {  	_ =	shalt  }
0x52: {  	_ =	shalt  }
0x53: {  	_ =	shalt  }
0x54: {  	_ =	shalt  }
0x55: {  	_ =	shalt  }
0x56: {  	_ =	shalt  }
0x57: {  	_ =	shalt  }
0x58: {  	_ =	shalt  }
0x59: {  	_ =	shalt  }
0x5a: {  	_ =	shalt  }
0x5b: {  	_ =	shalt  }
0x5c: {  	_ =	shalt  }
0x5d: {  	_ =	shalt  }
0x5e: {  	_ =	shalt  }
0x5f: {  	_ =	shalt  }
0x60: {  	_ =	shalt  }
0x61: {  	_ =	shalt  }
0x62: {  	_ =	shalt  }
0x63: {  	_ =	shalt  }
0x64: {  	_ =	shalt  }
0x65: {  	_ =	shalt  }
0x66: {  	_ =	shalt  }
0x67: {  	_ =	shalt  }
0x68: {  	_ =	shalt  }
0x69: {  	_ =	shalt  }
0x6a: {  	_ =	shalt  }
0x6b: {  	_ =	shalt  }
0x6c: {  	_ =	shalt  }
0x6d: {  	_ =	shalt  }
0x6e: {  	_ =	shalt  }
0x6f: {  	_ =	shalt  }
0x70: {  	_ =	shalt  }
0x71: {  	_ =	shalt  }
0x72: {  	_ =	shalt  }
0x73: {  	_ =	shalt  }
0x74: {  	_ =	shalt  }
0x75: {  	_ =	shalt  }
0x76: {  	_ =	shalt  }
0x77: {  	_ =	shalt  }
0x78: {  	_ =	shalt  }
0x79: {  	_ =	shalt  }
0x7a: {  	_ =	shalt  }
0x7b: {  	_ =	shalt  }
0x7c: {  	_ =	shalt  }
0x7d: {  	_ =	shalt  }
0x7e: {  	_ =	shalt  }
0x7f: {  	_ =	shalt  }
0x80: {  	_ =	shalt  }
0x81: {  	_ =	shalt  }
0x82: {  	_ =	shalt  }
0x83: {  	_ =	shalt  }
0x84: {  	_ =	shalt  }
0x85: {  	_ =	shalt  }
0x86: {  	_ =	shalt  }
0x87: {  	_ =	shalt  }
.Lfunc_end0:
.L_simem_size_0:
called_computation_lowered:
.L_overlay_start_0:
0x88: {  	s2 =	sld [smem:$0x3FD9]  }
0x89: {  	s3 =	sld [smem:$0x3FFE];
	_ =	sdelay $0x1  }
0x8a: {  	s1 =	srdreg.scid  }
0x8b: {  	s0 =	sand.u32 $0x1, s1  }
0x8c: {  	s17 =	sshll.u32 s0, $0xA;
	s2 =	sadd.s32 s3, s2  }
0x8d: {  	s2 =	sadd.s32 s2, s17  }
0x8e: {  	[smem:$0x3FC2] =	sst s2  }
0x8f: {  	_ = 	snop  }
0x90: {  	s2 =	sld [smem:$0x3FC9];
	(tm) =	ssettm $0x1  }
0x91: {  	s18 =	sld [smem:$0x3FFB];
	_ =	sdelay $0x3  }
0x92: {  	_ =	strace s18  }
0x93: {  	s3 =	sld [smem:$0x3FFC];
	_ =	sdelay $0x3  }
0x94: {  	_ =	strace s3  }
0x95: {  	s3 =	sld [smem:$0x3FFD];
	_ =	sdelay $0x3  }
0x96: {  	_ =	strace s3  }
0x97: {  	_ =	strace $0x8FFFFFFF  }
0x98: {  	s19 =	sld [smem:$0x3FDB];
	_ =	sdelay $0x1  }
0x99: {  	s4 =	simm.s32 $_scs_section_size  }
0x9a: {  	s5 =	simm.s32 $_size__tile_overlayer_lowered;
	s6 =	simm.s32 $_tile_overlayer_lowered  }
0x9b: {  	s22 =	simm.s32 $0x1BFF;
	s21 =	sshll.u32 s6, $0x1;
	s3 =	sadd.s32 s4, s19  }
0x9c: {  	s7 =	simm.s32 $0x0;
	s20 =	sshll.u32 s5, $0x1;
	s5 =	sadd.s32 s21, s3  }
0x9d: {  	[timem:s7], [sflag:s22] =	dma.local [hbm:s5], s20  }
0x9e: {  	_ =	swait.ge [sflag:s22], s20  }
0x9f: {  	s4 =	ssub.s32 $0x0, s20;
	[sflag:s22] =	ssyncset.done $0x0  }
0xa0: {  	[sflag:s22] =	ssyncadd.s32 s4;
	_ =	sdelay $0x1  }
0xa1: {  	s23 =	simm.s32 $0x1B8B  }
0xa2: {  	_ =	swait.ge [sflag:s23], $0x1  }
0xa3: {  	[sflag:s23] =	ssyncset.done $0x0  }
0xa4: {  	s25 =	simm.s32 $0x1B8E;
	s24 =	sld [smem:$0x3FFE];
	[sflag:s23] =	ssyncadd.s32 $0xFFFFFFFF  }
0xa5: {  	s26 =	simm.s32 $execute0_lowered;
	[smem:$0x3FD2] =	sst s25  }
0xa6: {  	s5 =	sshll.u32 s26, $0x1;
	_ =	strace $0x80000046;
	[dreg:$0x1] =	wrdreg $0xFFFFFFFF  }
0xa7: {  	s28 =	simm.s32 $_size_execute0_lowered;
	s3 =	sadd.s32 s3, s5;
	[dreg:$0x0] =	wrdreg $0x0  }
0xa8: {  	s5 =	sshll.u32 s28, $0x1;
	[dreg:$0x2] =	wrdreg s3  }
0xa9: {  	[dreg:$0x3] =	wrdreg s5  }
0xaa: {  	[dreg:$0x4] =	wrdreg $0xC0  }
0xab: {  	_ =	task [dreg:s7], $0x5FFFF  }
0xac: {  	[dreg:$0x1] =	wrdreg $0xFFFFFFFF  }
0xad: {  	[dreg:$0x0] =	wrdreg $0x60  }
0xae: {  	[dreg:$0x2] =	wrdreg s2  }
0xaf: {  	[dreg:$0x3] =	wrdreg s24  }
0xb0: {  	[dreg:$0x4] =	wrdreg $0x9  }
0xb1: {  	_ =	task.clear_ibuf [dreg:s7], $0x5FFFF;
	_ =	strace $0x90000046  }
0xb2: {  	s29 =	simm.s32 $0x9;
	_ =	strace $0x80000048  }
0xb3: {  	_ =	swait.ge [sflag:s29], $0x1  }
0xb4: {  	[sflag:s29] =	ssyncadd.s32 $0xFFFFFFFF  }
0xb5: {  	_ =	strace $0x90000048  }
0xb6: {  	_ =	sfence  }
0xb7: {  	s30 =	sld [smem:$0x0];
	_ =	sdelay $0x2  }
0xb8: {  	s31 =	sshll.u32 s1, $0xD;
	s1 =	sshrl.u32 s1, $0x2  }
0xb9: {  	s3 =	sand.u32 $0x4000, s31;
	s1 =	sadd.s32 s1, s30  }
0xba: {  	s0 =	sor.u32 s3, s0;
	s1 =	sshll.u32 s1, $0x11  }
0xbb: {  	s0 =	sor.u32 s1, s0  }
0xbc: {  	s0 =	sadd.s32 $0x8F2B, s0  }
0xbd: {  	[sflag:s0] =	ssyncadd.remote.s32 $0x1  }
0xbe: {  	_ =	sfence.sel $0xFFFF  }
0xbf: {  	[dreg:$0x0] =	wrdreg $0xFFFFFFFF;
	(pc) =	sbr.abs _section_cstart, $3  }
0xc0: {  	[dreg:$0x1] =	wrdreg $0xFFFFFFFF  }
0xc1: {  	_ =	task.clear_ibuf [dreg:s7], $0x2FFFF;
	_ =	strace $0x9FFFFFFF  }
0xc2: {  	(tm) =	ssettm $0x7FFFFFFF  }
0xc3: {  	_ =	shalt  }
tec
execute0_lowered:
.L_overlay_start_1:
0x0: {  	(tag) =	ssettag $0x1  }
0x1: {  	s0 =	srdreg.scid;
	s1 =	rddreg [dreg:$0x0]  }
0x2: {  	s2 =	stileid.u32;
	s5 =	rddreg [dreg:$0x1];
	s25 =	simm.s32 $0x18000  }
0x3: {  	s26 =	simm.s32 $0x18080;
	s7 =	simm.s32 $0x3;
	s9 =	simm.s32 $0x1800  }
0x4: {  	s10 =	simm.s32 $0x2000;
	s11 =	simm.s32 $0x2800;
	s12 =	simm.s32 $0x3000  }
0x5: {  	s13 =	simm.s32 $0x3800;
	s14 =	simm.s32 $0x4000;
	s15 =	simm.s32 $0x4800  }
0x6: {  	s16 =	simm.s32 $0x5000;
	s17 =	simm.s32 $0x5800;
	s18 =	simm.s32 $0x6000  }
0x7: {  	s19 =	simm.s32 $0x6800;
	s20 =	simm.s32 $0x7000;
	s21 =	simm.s32 $0x7800  }
0x8: {  	s28 =	simm.s32 $0xA800;
	s29 =	simm.s32 $0xB000;
	s0 =	sand.u32 $0x1, s0  }
0x9: {  	s30 =	simm.s32 $0xB800;
	s2 =	sshll.u32 s2, $0x5;
	s3 =	sshll.u32 s0, $0x4  }
0xa: {  	s31 =	simm.s32 $0xC000;
	s0 =	ssub.s32 $0x2, s0;
	s3 =	sor.u32 s3, s2  }
0xb: {  	s2 =	simm.s32 $0x0;
	s23 =	sshrl.u32 s0, $0x1;
	s4 =	smul.u32 $0x300, s3  }
0xc: {  	[smem:$0x7FF] =	sst s2;
	s3 =	sadd.s32 s3, s5;
	s0 =	ssub.s32 s0, s23  }
0xd: {  	s23 =	simm.s32 $0x8800;
	_ =	strace $0x80000047;
	s22 =	sadd.s32 $0x2600, s3  }
0xe: {  	s24 =	sadd.s32 $0x2400, s3;
	s3 =	sadd.s32 $0x2800, s5;
	[dreg:$0x6] =	wrdreg s25  }
0xf: {  	s6 =	smax.u32 s0, $0x1;
	[dreg:$0x7] =	wrdreg s26;
	s25 =	simm.s32 $0x9800  }
0x10: {  	v2 =	vlaneseq.u32;
	s26 =	simm.s32 $0xA000;
	s1 =	sadd.s32 s1, s4;
	[dreg:$0x4] =	wrdreg s22  }
0x11: {  	vm0 =	vmmov $0xffff;
	v1 =	vshrl.u32 v2, $0x3;
	[dreg:$0x5] =	wrdreg s24;
	s4 =	sadd.s32 $0x2900, s5;
	s5 =	sadd.s32 $0x2A00, s5  }
0x12: {  	v0 =	vand.u32 $0x7, v2;
	v2 =	vor.u32 $0x8, v2;
	v1 =	vmul.u32 $0x8, v1;
	s22 =	simm.s32 $0x8000;
	s24 =	simm.s32 $0x9000;
	[dreg:$0x3] =	wrdreg s1  }
.LBB2_1:
0x13: {  	s0 =	rddreg [dreg:$0x3]  }
0x14: {  	[tilespmem:s2], [sflag:$0x3] =	stream.linear.gather [hbm4b:s0+s2], $0x18000, $0x38;
	[tilespmem:$0x18100] =	vst v63  }
0x15: {  	_ =	swait.ge [sflag:s7], $0x18000  }
0x16: {  	s1 =	rddreg [dreg:$0x4];
	[sflag:s7] =	ssyncset.done $0x0  }
0x17: {  	s8 =	rddreg [dreg:$0x6];
	[sflag:s7] =	ssyncadd.s32 $0xFFFE8000  }
0x18: {  	[tilespmem:s8], [sflag:$0x3] =	stream.linear.gather [hbm4b:s1+s2], $0x80, $0x38;
	[tilespmem:$0x18100] =	vst v63  }
0x19: {  	_ =	swait.ge [sflag:s7], $0x80  }
0x1a: {  	s8 =	rddreg [dreg:$0x5];
	[sflag:s7] =	ssyncset.done $0x0  }
0x1b: {  	s1 =	rddreg [dreg:$0x7];
	[sflag:s7] =	ssyncadd.s32 $0xFFFFFF80  }
0x1c: {  	[tilespmem:s1], [sflag:$0x3] =	stream.linear.gather [hbm4b:s8+s2], $0x80, $0x38;
	[tilespmem:$0x18100] =	vst v63  }
0x1d: {  	_ =	swait.ge [sflag:s7], $0x80  }
0x1e: {  	[sflag:s7] =	ssyncset.done $0x0  }
0x1f: {  	[sflag:s7] =	ssyncadd.s32 $0xFFFFFF80  }
0x20: {  	v3 =	vld [tilespmem:$0x18000];
	_ =	sdelay $0x4  }
0x21: {  	v4 =	vshrl.u32 v3, $0x3  }
0x22: {  	v4 =	vmul.u32 $0x30, v4  }
0x23: {  	v3 =	vand.u32 $0x7, v3  }
0x24: {  	v3 =	vor.u32 v3, v4  }
0x25: {  	v4 =	vperm.xlane v3, v0;
	_ =	sdelay $0x1  }
0x26: {  	v4 =	vadd.s32 v1, v4;
	_ =	sdelay $0x3  }
0x27: {  	v3 =	vperm.xlane v3, v2  }
0x28: {  	[hbm4b:s3+s2] =	stream.indirect_vreg.scatter [tilespmem:s2], [sflag:$0x1], $0x80, v4, vm0, $0xb8;
	[tilespmem:$0x18100] =	vst v63  }
0x29: {  	s8 =	simm.s32 $0x800;
	v3 =	vadd.s32 v1, v3  }
0x2a: {  	[hbm4b:s4+s2] =	stream.indirect_vreg.scatter [tilespmem:s8], [sflag:$0x1], $0x80, v4, vm0, $0xb8;
	[tilespmem:$0x18100] =	vst v63  }
0x2b: {  	s8 =	simm.s32 $0x1000  }
0x2c: {  	[hbm4b:s5+s2] =	stream.indirect_vreg.scatter [tilespmem:s8], [sflag:$0x1], $0x80, v4, vm0, $0xb8;
	[tilespmem:$0x18100] =	vst v63  }
0x2d: {  	_ = 	snop  }
0x2e: {  	[hbm4b:s3+s2] =	stream.indirect_vreg.scatter [tilespmem:s9], [sflag:$0x1], $0x80, v3, vm0, $0xb8;
	[tilespmem:$0x18100] =	vst v63  }
0x2f: {  	_ = 	snop  }
0x30: {  	[hbm4b:s4+s2] =	stream.indirect_vreg.scatter [tilespmem:s10], [sflag:$0x1], $0x80, v3, vm0, $0xb8;
	[tilespmem:$0x18100] =	vst v63  }
0x31: {  	_ = 	snop  }
0x32: {  	[hbm4b:s5+s2] =	stream.indirect_vreg.scatter [tilespmem:s11], [sflag:$0x1], $0x80, v3, vm0, $0xb8;
	[tilespmem:$0x18100] =	vst v63  }
0x33: {  	v3 =	vld [tilespmem:$0x18010];
	_ =	sdelay $0x4  }
0x34: {  	v49 =	vshrl.u32 v3, $0x3  }
0x35: {  	v4 =	vmul.u32 $0x30, v49  }
0x36: {  	v3 =	vand.u32 $0x7, v3  }
0x37: {  	v3 =	vor.u32 v3, v4  }
0x38: {  	v4 =	vperm.xlane v3, v0;
	_ =	sdelay $0x1  }
0x39: {  	v4 =	vadd.s32 v1, v4;
	_ =	sdelay $0x3  }
0x3a: {  	v3 =	vperm.xlane v3, v2  }
0x3b: {  	[hbm4b:s3+s2] =	stream.indirect_vreg.scatter [tilespmem:s12], [sflag:$0x1], $0x80, v4, vm0, $0xb8;
	[tilespmem:$0x18100] =	vst v63  }
0x3c: {  	v3 =	vadd.s32 v1, v3  }
0x3d: {  	[hbm4b:s4+s2] =	stream.indirect_vreg.scatter [tilespmem:s13], [sflag:$0x1], $0x80, v4, vm0, $0xb8;
	[tilespmem:$0x18100] =	vst v63  }
0x3e: {  	_ = 	snop  }
0x3f: {  	[hbm4b:s5+s2] =	stream.indirect_vreg.scatter [tilespmem:s14], [sflag:$0x1], $0x80, v4, vm0, $0xb8;
	[tilespmem:$0x18100] =	vst v63  }
0x40: {  	_ = 	snop  }
0x41: {  	[hbm4b:s3+s2] =	stream.indirect_vreg.scatter [tilespmem:s15], [sflag:$0x1], $0x80, v3, vm0, $0xb8;
	[tilespmem:$0x18100] =	vst v63  }
0x42: {  	_ = 	snop  }
0x43: {  	[hbm4b:s4+s2] =	stream.indirect_vreg.scatter [tilespmem:s16], [sflag:$0x1], $0x80, v3, vm0, $0xb8;
	[tilespmem:$0x18100] =	vst v63  }
0x44: {  	_ = 	snop  }
0x45: {  	[hbm4b:s5+s2] =	stream.indirect_vreg.scatter [tilespmem:s17], [sflag:$0x1], $0x80, v3, vm0, $0xb8;
	[tilespmem:$0x18100] =	vst v63  }
0x46: {  	v3 =	vld [tilespmem:$0x18020];
	_ =	sdelay $0x4  }
0x47: {  	v50 =	vshrl.u32 v3, $0x3  }
0x48: {  	v4 =	vmul.u32 $0x30, v50  }
0x49: {  	v3 =	vand.u32 $0x7, v3  }
0x4a: {  	v3 =	vor.u32 v3, v4  }
0x4b: {  	v4 =	vperm.xlane v3, v0;
	_ =	sdelay $0x1  }
0x4c: {  	v4 =	vadd.s32 v1, v4;
	_ =	sdelay $0x3  }
0x4d: {  	v3 =	vperm.xlane v3, v2  }
0x4e: {  	[hbm4b:s3+s2] =	stream.indirect_vreg.scatter [tilespmem:s18], [sflag:$0x1], $0x80, v4, vm0, $0xb8;
	[tilespmem:$0x18100] =	vst v63  }
0x4f: {  	v3 =	vadd.s32 v1, v3  }
0x50: {  	[hbm4b:s4+s2] =	stream.indirect_vreg.scatter [tilespmem:s19], [sflag:$0x1], $0x80, v4, vm0, $0xb8;
	[tilespmem:$0x18100] =	vst v63  }
0x51: {  	_ = 	snop  }
0x52: {  	[hbm4b:s5+s2] =	stream.indirect_vreg.scatter [tilespmem:s20], [sflag:$0x1], $0x80, v4, vm0, $0xb8;
	[tilespmem:$0x18100] =	vst v63  }
0x53: {  	_ = 	snop  }
0x54: {  	[hbm4b:s3+s2] =	stream.indirect_vreg.scatter [tilespmem:s21], [sflag:$0x1], $0x80, v3, vm0, $0xb8;
	[tilespmem:$0x18100] =	vst v63  }
0x55: {  	_ = 	snop  }
0x56: {  	[hbm4b:s4+s2] =	stream.indirect_vreg.scatter [tilespmem:s22], [sflag:$0x1], $0x80, v3, vm0, $0xb8;
	[tilespmem:$0x18100] =	vst v63  }
0x57: {  	_ = 	snop  }
0x58: {  	[hbm4b:s5+s2] =	stream.indirect_vreg.scatter [tilespmem:s23], [sflag:$0x1], $0x80, v3, vm0, $0xb8;
	[tilespmem:$0x18100] =	vst v63  }
0x59: {  	v3 =	vld [tilespmem:$0x18030];
	_ =	sdelay $0x4  }
0x5a: {  	v51 =	vshrl.u32 v3, $0x3  }
0x5b: {  	v4 =	vmul.u32 $0x30, v51  }
0x5c: {  	v3 =	vand.u32 $0x7, v3  }
0x5d: {  	v3 =	vor.u32 v3, v4  }
0x5e: {  	v4 =	vperm.xlane v3, v0;
	_ =	sdelay $0x1  }
0x5f: {  	v4 =	vadd.s32 v1, v4;
	_ =	sdelay $0x3  }
0x60: {  	v3 =	vperm.xlane v3, v2  }
0x61: {  	[hbm4b:s3+s2] =	stream.indirect_vreg.scatter [tilespmem:s24], [sflag:$0x1], $0x80, v4, vm0, $0xb8;
	[tilespmem:$0x18100] =	vst v63  }
0x62: {  	v3 =	vadd.s32 v1, v3  }
0x63: {  	[hbm4b:s4+s2] =	stream.indirect_vreg.scatter [tilespmem:s25], [sflag:$0x1], $0x80, v4, vm0, $0xb8;
	[tilespmem:$0x18100] =	vst v63  }
0x64: {  	_ = 	snop  }
0x65: {  	[hbm4b:s5+s2] =	stream.indirect_vreg.scatter [tilespmem:s26], [sflag:$0x1], $0x80, v4, vm0, $0xb8;
	[tilespmem:$0x18100] =	vst v63  }
0x66: {  	_ = 	snop  }
0x67: {  	[hbm4b:s3+s2] =	stream.indirect_vreg.scatter [tilespmem:s28], [sflag:$0x1], $0x80, v3, vm0, $0xb8;
	[tilespmem:$0x18100] =	vst v63  }
0x68: {  	_ = 	snop  }
0x69: {  	[hbm4b:s4+s2] =	stream.indirect_vreg.scatter [tilespmem:s29], [sflag:$0x1], $0x80, v3, vm0, $0xb8;
	[tilespmem:$0x18100] =	vst v63  }
0x6a: {  	_ = 	snop  }
0x6b: {  	[hbm4b:s5+s2] =	stream.indirect_vreg.scatter [tilespmem:s30], [sflag:$0x1], $0x80, v3, vm0, $0xb8;
	[tilespmem:$0x18100] =	vst v63  }
0x6c: {  	v3 =	vld [tilespmem:$0x18040];
	_ =	sdelay $0x4  }
0x6d: {  	v52 =	vshrl.u32 v3, $0x3  }
0x6e: {  	v4 =	vmul.u32 $0x30, v52  }
0x6f: {  	v3 =	vand.u32 $0x7, v3  }
0x70: {  	v3 =	vor.u32 v3, v4  }
0x71: {  	v4 =	vperm.xlane v3, v0;
	_ =	sdelay $0x1  }
0x72: {  	v4 =	vadd.s32 v1, v4;
	_ =	sdelay $0x3  }
0x73: {  	v3 =	vperm.xlane v3, v2  }
0x74: {  	[hbm4b:s3+s2] =	stream.indirect_vreg.scatter [tilespmem:s31], [sflag:$0x1], $0x80, v4, vm0, $0xb8;
	[tilespmem:$0x18100] =	vst v63  }
0x75: {  	s1 =	simm.s32 $0xC800;
	v3 =	vadd.s32 v1, v3  }
0x76: {  	[hbm4b:s4+s2] =	stream.indirect_vreg.scatter [tilespmem:s1], [sflag:$0x1], $0x80, v4, vm0, $0xb8;
	[tilespmem:$0x18100] =	vst v63  }
0x77: {  	s0 =	simm.s32 $0xD000  }
0x78: {  	[hbm4b:s5+s2] =	stream.indirect_vreg.scatter [tilespmem:s0], [sflag:$0x1], $0x80, v4, vm0, $0xb8;
	[tilespmem:$0x18100] =	vst v63  }
0x79: {  	s0 =	simm.s32 $0xD800  }
0x7a: {  	[hbm4b:s3+s2] =	stream.indirect_vreg.scatter [tilespmem:s0], [sflag:$0x1], $0x80, v3, vm0, $0xb8;
	[tilespmem:$0x18100] =	vst v63  }
0x7b: {  	s0 =	simm.s32 $0xE000  }
0x7c: {  	[hbm4b:s4+s2] =	stream.indirect_vreg.scatter [tilespmem:s0], [sflag:$0x1], $0x80, v3, vm0, $0xb8;
	[tilespmem:$0x18100] =	vst v63  }
0x7d: {  	s0 =	simm.s32 $0xE800  }
0x7e: {  	[hbm4b:s5+s2] =	stream.indirect_vreg.scatter [tilespmem:s0], [sflag:$0x1], $0x80, v3, vm0, $0xb8;
	[tilespmem:$0x18100] =	vst v63  }
0x7f: {  	v3 =	vld [tilespmem:$0x18050];
	_ =	sdelay $0x4  }
0x80: {  	v53 =	vshrl.u32 v3, $0x3  }
0x81: {  	v4 =	vmul.u32 $0x30, v53  }
0x82: {  	v3 =	vand.u32 $0x7, v3  }
0x83: {  	v3 =	vor.u32 v3, v4  }
0x84: {  	v4 =	vperm.xlane v3, v0;
	_ =	sdelay $0x1  }
0x85: {  	v4 =	vadd.s32 v1, v4;
	_ =	sdelay $0x3  }
0x86: {  	s0 =	simm.s32 $0xF000;
	v3 =	vperm.xlane v3, v2  }
0x87: {  	[hbm4b:s3+s2] =	stream.indirect_vreg.scatter [tilespmem:s0], [sflag:$0x1], $0x80, v4, vm0, $0xb8;
	[tilespmem:$0x18100] =	vst v63  }
0x88: {  	v3 =	vadd.s32 v1, v3;
	s0 =	simm.s32 $0xF800  }
0x89: {  	[hbm4b:s4+s2] =	stream.indirect_vreg.scatter [tilespmem:s0], [sflag:$0x1], $0x80, v4, vm0, $0xb8;
	[tilespmem:$0x18100] =	vst v63  }
0x8a: {  	s0 =	simm.s32 $0x10000  }
0x8b: {  	[hbm4b:s5+s2] =	stream.indirect_vreg.scatter [tilespmem:s0], [sflag:$0x1], $0x80, v4, vm0, $0xb8;
	[tilespmem:$0x18100] =	vst v63  }
0x8c: {  	s0 =	simm.s32 $0x10800  }
0x8d: {  	[hbm4b:s3+s2] =	stream.indirect_vreg.scatter [tilespmem:s0], [sflag:$0x1], $0x80, v3, vm0, $0xb8;
	[tilespmem:$0x18100] =	vst v63  }
0x8e: {  	s0 =	simm.s32 $0x11000  }
0x8f: {  	[hbm4b:s4+s2] =	stream.indirect_vreg.scatter [tilespmem:s0], [sflag:$0x1], $0x80, v3, vm0, $0xb8;
	[tilespmem:$0x18100] =	vst v63  }
0x90: {  	s0 =	simm.s32 $0x11800  }
0x91: {  	[hbm4b:s5+s2] =	stream.indirect_vreg.scatter [tilespmem:s0], [sflag:$0x1], $0x80, v3, vm0, $0xb8;
	[tilespmem:$0x18100] =	vst v63  }
0x92: {  	v3 =	vld [tilespmem:$0x18060];
	_ =	sdelay $0x4  }
0x93: {  	v54 =	vshrl.u32 v3, $0x3  }
0x94: {  	v4 =	vmul.u32 $0x30, v54  }
0x95: {  	v3 =	vand.u32 $0x7, v3  }
0x96: {  	v3 =	vor.u32 v3, v4  }
0x97: {  	v4 =	vperm.xlane v3, v0;
	_ =	sdelay $0x1  }
0x98: {  	v4 =	vadd.s32 v1, v4;
	_ =	sdelay $0x3  }
0x99: {  	s0 =	simm.s32 $0x12000;
	v3 =	vperm.xlane v3, v2  }
0x9a: {  	[hbm4b:s3+s2] =	stream.indirect_vreg.scatter [tilespmem:s0], [sflag:$0x1], $0x80, v4, vm0, $0xb8;
	[tilespmem:$0x18100] =	vst v63  }
0x9b: {  	v3 =	vadd.s32 v1, v3;
	s0 =	simm.s32 $0x12800  }
0x9c: {  	[hbm4b:s4+s2] =	stream.indirect_vreg.scatter [tilespmem:s0], [sflag:$0x1], $0x80, v4, vm0, $0xb8;
	[tilespmem:$0x18100] =	vst v63  }
0x9d: {  	s0 =	simm.s32 $0x13000  }
0x9e: {  	[hbm4b:s5+s2] =	stream.indirect_vreg.scatter [tilespmem:s0], [sflag:$0x1], $0x80, v4, vm0, $0xb8;
	[tilespmem:$0x18100] =	vst v63  }
0x9f: {  	s0 =	simm.s32 $0x13800  }
0xa0: {  	[hbm4b:s3+s2] =	stream.indirect_vreg.scatter [tilespmem:s0], [sflag:$0x1], $0x80, v3, vm0, $0xb8;
	[tilespmem:$0x18100] =	vst v63  }
0xa1: {  	s0 =	simm.s32 $0x14000  }
0xa2: {  	[hbm4b:s4+s2] =	stream.indirect_vreg.scatter [tilespmem:s0], [sflag:$0x1], $0x80, v3, vm0, $0xb8;
	[tilespmem:$0x18100] =	vst v63  }
0xa3: {  	s0 =	simm.s32 $0x14800  }
0xa4: {  	[hbm4b:s5+s2] =	stream.indirect_vreg.scatter [tilespmem:s0], [sflag:$0x1], $0x80, v3, vm0, $0xb8;
	[tilespmem:$0x18100] =	vst v63  }
0xa5: {  	v3 =	vld [tilespmem:$0x18070];
	_ =	sdelay $0x4  }
0xa6: {  	v55 =	vshrl.u32 v3, $0x3  }
0xa7: {  	v4 =	vmul.u32 $0x30, v55  }
0xa8: {  	v3 =	vand.u32 $0x7, v3  }
0xa9: {  	v3 =	vor.u32 v3, v4  }
0xaa: {  	v4 =	vperm.xlane v3, v0;
	_ =	sdelay $0x1  }
0xab: {  	v4 =	vadd.s32 v1, v4;
	_ =	sdelay $0x3  }
0xac: {  	s0 =	simm.s32 $0x15000;
	v3 =	vperm.xlane v3, v2  }
0xad: {  	[hbm4b:s3+s2] =	stream.indirect_vreg.scatter [tilespmem:s0], [sflag:$0x1], $0x80, v4, vm0, $0xb8;
	[tilespmem:$0x18100] =	vst v63  }
0xae: {  	v3 =	vadd.s32 v1, v3;
	s0 =	simm.s32 $0x15800  }
0xaf: {  	[hbm4b:s4+s2] =	stream.indirect_vreg.scatter [tilespmem:s0], [sflag:$0x1], $0x80, v4, vm0, $0xb8;
	[tilespmem:$0x18100] =	vst v63  }
0xb0: {  	s0 =	simm.s32 $0x16000  }
0xb1: {  	[hbm4b:s5+s2] =	stream.indirect_vreg.scatter [tilespmem:s0], [sflag:$0x1], $0x80, v4, vm0, $0xb8;
	[tilespmem:$0x18100] =	vst v63  }
0xb2: {  	s0 =	simm.s32 $0x16800  }
0xb3: {  	[hbm4b:s3+s2] =	stream.indirect_vreg.scatter [tilespmem:s0], [sflag:$0x1], $0x80, v3, vm0, $0xb8;
	[tilespmem:$0x18100] =	vst v63  }
0xb4: {  	s0 =	simm.s32 $0x17000  }
0xb5: {  	[hbm4b:s4+s2] =	stream.indirect_vreg.scatter [tilespmem:s0], [sflag:$0x1], $0x80, v3, vm0, $0xb8;
	[tilespmem:$0x18100] =	vst v63  }
0xb6: {  	s0 =	simm.s32 $0x17800  }
0xb7: {  	[hbm4b:s5+s2] =	stream.indirect_vreg.scatter [tilespmem:s0], [sflag:$0x1], $0x80, v3, vm0, $0xb8;
	[tilespmem:$0x18100] =	vst v63  }
0xb8: {  	v3 =	vld [tilespmem:$0x18080];
	_ =	sdelay $0x4  }
0xb9: {  	v56 =	vshrl.u32 v3, $0x3  }
0xba: {  	v4 =	vmul.u32 $0x30, v56  }
0xbb: {  	v3 =	vand.u32 $0x7, v3  }
0xbc: {  	v3 =	vor.u32 v3, v4  }
0xbd: {  	v4 =	vperm.xlane v3, v0;
	_ =	sdelay $0x1  }
0xbe: {  	v4 =	vadd.s32 v1, v4;
	_ =	sdelay $0x3  }
0xbf: {  	v3 =	vperm.xlane v3, v2  }
0xc0: {  	[hbm4b:s3+s2] =	stream.indirect_vreg.scatter [tilespmem:s2], [sflag:$0x2], $0x80, v4, vm0, $0xb8;
	[tilespmem:$0x18100] =	vst v63  }
0xc1: {  	s0 =	simm.s32 $0x800;
	v3 =	vadd.s32 v1, v3  }
0xc2: {  	[hbm4b:s4+s2] =	stream.indirect_vreg.scatter [tilespmem:s0], [sflag:$0x2], $0x80, v4, vm0, $0xb8;
	[tilespmem:$0x18100] =	vst v63  }
0xc3: {  	_ = 	snop  }
0xc4: {  	[hbm4b:s5+s2] =	stream.indirect_vreg.scatter [tilespmem:s8], [sflag:$0x2], $0x80, v4, vm0, $0xb8;
	[tilespmem:$0x18100] =	vst v63  }
0xc5: {  	_ = 	snop  }
0xc6: {  	[hbm4b:s3+s2] =	stream.indirect_vreg.scatter [tilespmem:s9], [sflag:$0x2], $0x80, v3, vm0, $0xb8;
	[tilespmem:$0x18100] =	vst v63  }
0xc7: {  	_ = 	snop  }
0xc8: {  	[hbm4b:s4+s2] =	stream.indirect_vreg.scatter [tilespmem:s10], [sflag:$0x2], $0x80, v3, vm0, $0xb8;
	[tilespmem:$0x18100] =	vst v63  }
0xc9: {  	_ = 	snop  }
0xca: {  	[hbm4b:s5+s2] =	stream.indirect_vreg.scatter [tilespmem:s11], [sflag:$0x2], $0x80, v3, vm0, $0xb8;
	[tilespmem:$0x18100] =	vst v63  }
0xcb: {  	v3 =	vld [tilespmem:$0x18090];
	_ =	sdelay $0x4  }
0xcc: {  	v57 =	vshrl.u32 v3, $0x3  }
0xcd: {  	v4 =	vmul.u32 $0x30, v57  }
0xce: {  	v3 =	vand.u32 $0x7, v3  }
0xcf: {  	v3 =	vor.u32 v3, v4  }
0xd0: {  	v4 =	vperm.xlane v3, v0;
	_ =	sdelay $0x1  }
0xd1: {  	v4 =	vadd.s32 v1, v4;
	_ =	sdelay $0x3  }
0xd2: {  	v3 =	vperm.xlane v3, v2  }
0xd3: {  	[hbm4b:s3+s2] =	stream.indirect_vreg.scatter [tilespmem:s12], [sflag:$0x2], $0x80, v4, vm0, $0xb8;
	[tilespmem:$0x18100] =	vst v63  }
0xd4: {  	v3 =	vadd.s32 v1, v3  }
0xd5: {  	[hbm4b:s4+s2] =	stream.indirect_vreg.scatter [tilespmem:s13], [sflag:$0x2], $0x80, v4, vm0, $0xb8;
	[tilespmem:$0x18100] =	vst v63  }
0xd6: {  	_ = 	snop  }
0xd7: {  	[hbm4b:s5+s2] =	stream.indirect_vreg.scatter [tilespmem:s14], [sflag:$0x2], $0x80, v4, vm0, $0xb8;
	[tilespmem:$0x18100] =	vst v63  }
0xd8: {  	_ = 	snop  }
0xd9: {  	[hbm4b:s3+s2] =	stream.indirect_vreg.scatter [tilespmem:s15], [sflag:$0x2], $0x80, v3, vm0, $0xb8;
	[tilespmem:$0x18100] =	vst v63  }
0xda: {  	_ = 	snop  }
0xdb: {  	[hbm4b:s4+s2] =	stream.indirect_vreg.scatter [tilespmem:s16], [sflag:$0x2], $0x80, v3, vm0, $0xb8;
	[tilespmem:$0x18100] =	vst v63  }
0xdc: {  	_ = 	snop  }
0xdd: {  	[hbm4b:s5+s2] =	stream.indirect_vreg.scatter [tilespmem:s17], [sflag:$0x2], $0x80, v3, vm0, $0xb8;
	[tilespmem:$0x18100] =	vst v63  }
0xde: {  	v3 =	vld [tilespmem:$0x180A0];
	_ =	sdelay $0x4  }
0xdf: {  	v58 =	vshrl.u32 v3, $0x3  }
0xe0: {  	v4 =	vmul.u32 $0x30, v58  }
0xe1: {  	v3 =	vand.u32 $0x7, v3  }
0xe2: {  	v3 =	vor.u32 v3, v4  }
0xe3: {  	v4 =	vperm.xlane v3, v0;
	_ =	sdelay $0x1  }
0xe4: {  	v4 =	vadd.s32 v1, v4;
	_ =	sdelay $0x3  }
0xe5: {  	v3 =	vperm.xlane v3, v2  }
0xe6: {  	[hbm4b:s3+s2] =	stream.indirect_vreg.scatter [tilespmem:s18], [sflag:$0x2], $0x80, v4, vm0, $0xb8;
	[tilespmem:$0x18100] =	vst v63  }
0xe7: {  	v3 =	vadd.s32 v1, v3  }
0xe8: {  	[hbm4b:s4+s2] =	stream.indirect_vreg.scatter [tilespmem:s19], [sflag:$0x2], $0x80, v4, vm0, $0xb8;
	[tilespmem:$0x18100] =	vst v63  }
0xe9: {  	_ = 	snop  }
0xea: {  	[hbm4b:s5+s2] =	stream.indirect_vreg.scatter [tilespmem:s20], [sflag:$0x2], $0x80, v4, vm0, $0xb8;
	[tilespmem:$0x18100] =	vst v63  }
0xeb: {  	_ = 	snop  }
0xec: {  	[hbm4b:s3+s2] =	stream.indirect_vreg.scatter [tilespmem:s21], [sflag:$0x2], $0x80, v3, vm0, $0xb8;
	[tilespmem:$0x18100] =	vst v63  }
0xed: {  	_ = 	snop  }
0xee: {  	[hbm4b:s4+s2] =	stream.indirect_vreg.scatter [tilespmem:s22], [sflag:$0x2], $0x80, v3, vm0, $0xb8;
	[tilespmem:$0x18100] =	vst v63  }
0xef: {  	_ = 	snop  }
0xf0: {  	[hbm4b:s5+s2] =	stream.indirect_vreg.scatter [tilespmem:s23], [sflag:$0x2], $0x80, v3, vm0, $0xb8;
	[tilespmem:$0x18100] =	vst v63  }
0xf1: {  	v3 =	vld [tilespmem:$0x180B0];
	_ =	sdelay $0x4  }
0xf2: {  	v59 =	vshrl.u32 v3, $0x3  }
0xf3: {  	v4 =	vmul.u32 $0x30, v59  }
0xf4: {  	v3 =	vand.u32 $0x7, v3  }
0xf5: {  	v3 =	vor.u32 v3, v4  }
0xf6: {  	v4 =	vperm.xlane v3, v0;
	_ =	sdelay $0x1  }
0xf7: {  	v4 =	vadd.s32 v1, v4;
	_ =	sdelay $0x3  }
0xf8: {  	v3 =	vperm.xlane v3, v2  }
0xf9: {  	[hbm4b:s3+s2] =	stream.indirect_vreg.scatter [tilespmem:s24], [sflag:$0x2], $0x80, v4, vm0, $0xb8;
	[tilespmem:$0x18100] =	vst v63  }
0xfa: {  	v3 =	vadd.s32 v1, v3  }
0xfb: {  	[hbm4b:s4+s2] =	stream.indirect_vreg.scatter [tilespmem:s25], [sflag:$0x2], $0x80, v4, vm0, $0xb8;
	[tilespmem:$0x18100] =	vst v63  }
0xfc: {  	_ = 	snop  }
0xfd: {  	[hbm4b:s5+s2] =	stream.indirect_vreg.scatter [tilespmem:s26], [sflag:$0x2], $0x80, v4, vm0, $0xb8;
	[tilespmem:$0x18100] =	vst v63  }
0xfe: {  	_ = 	snop  }
0xff: {  	[hbm4b:s3+s2] =	stream.indirect_vreg.scatter [tilespmem:s28], [sflag:$0x2], $0x80, v3, vm0, $0xb8;
	[tilespmem:$0x18100] =	vst v63  }
0x100: {  	_ = 	snop  }
0x101: {  	[hbm4b:s4+s2] =	stream.indirect_vreg.scatter [tilespmem:s29], [sflag:$0x2], $0x80, v3, vm0, $0xb8;
	[tilespmem:$0x18100] =	vst v63  }
0x102: {  	_ = 	snop  }
0x103: {  	[hbm4b:s5+s2] =	stream.indirect_vreg.scatter [tilespmem:s30], [sflag:$0x2], $0x80, v3, vm0, $0xb8;
	[tilespmem:$0x18100] =	vst v63  }
0x104: {  	v3 =	vld [tilespmem:$0x180C0];
	_ =	sdelay $0x4  }
0x105: {  	v60 =	vshrl.u32 v3, $0x3  }
0x106: {  	v4 =	vmul.u32 $0x30, v60  }
0x107: {  	v3 =	vand.u32 $0x7, v3  }
0x108: {  	v3 =	vor.u32 v3, v4  }
0x109: {  	v4 =	vperm.xlane v3, v0;
	_ =	sdelay $0x1  }
0x10a: {  	v4 =	vadd.s32 v1, v4;
	_ =	sdelay $0x3  }
0x10b: {  	v3 =	vperm.xlane v3, v2  }
0x10c: {  	[hbm4b:s3+s2] =	stream.indirect_vreg.scatter [tilespmem:s31], [sflag:$0x2], $0x80, v4, vm0, $0xb8;
	[tilespmem:$0x18100] =	vst v63  }
0x10d: {  	v3 =	vadd.s32 v1, v3  }
0x10e: {  	[hbm4b:s4+s2] =	stream.indirect_vreg.scatter [tilespmem:s1], [sflag:$0x2], $0x80, v4, vm0, $0xb8;
	[tilespmem:$0x18100] =	vst v63  }
0x10f: {  	s0 =	simm.s32 $0xD000  }
0x110: {  	[hbm4b:s5+s2] =	stream.indirect_vreg.scatter [tilespmem:s0], [sflag:$0x2], $0x80, v4, vm0, $0xb8;
	[tilespmem:$0x18100] =	vst v63  }
0x111: {  	s8 =	simm.s32 $0xD800  }
0x112: {  	[hbm4b:s3+s2] =	stream.indirect_vreg.scatter [tilespmem:s8], [sflag:$0x2], $0x80, v3, vm0, $0xb8;
	[tilespmem:$0x18100] =	vst v63  }
0x113: {  	s1 =	simm.s32 $0xE000  }
0x114: {  	[hbm4b:s4+s2] =	stream.indirect_vreg.scatter [tilespmem:s1], [sflag:$0x2], $0x80, v3, vm0, $0xb8;
	[tilespmem:$0x18100] =	vst v63  }
0x115: {  	s8 =	simm.s32 $0xE800  }
0x116: {  	[hbm4b:s5+s2] =	stream.indirect_vreg.scatter [tilespmem:s8], [sflag:$0x2], $0x80, v3, vm0, $0xb8;
	[tilespmem:$0x18100] =	vst v63  }
0x117: {  	v3 =	vld [tilespmem:$0x180D0];
	_ =	sdelay $0x4  }
0x118: {  	v61 =	vshrl.u32 v3, $0x3  }
0x119: {  	v4 =	vmul.u32 $0x30, v61  }
0x11a: {  	v3 =	vand.u32 $0x7, v3  }
0x11b: {  	v3 =	vor.u32 v3, v4  }
0x11c: {  	v4 =	vperm.xlane v3, v0;
	_ =	sdelay $0x1  }
0x11d: {  	v4 =	vadd.s32 v1, v4;
	_ =	sdelay $0x3  }
0x11e: {  	s1 =	simm.s32 $0xF000;
	v3 =	vperm.xlane v3, v2  }
0x11f: {  	[hbm4b:s3+s2] =	stream.indirect_vreg.scatter [tilespmem:s1], [sflag:$0x2], $0x80, v4, vm0, $0xb8;
	[tilespmem:$0x18100] =	vst v63  }
0x120: {  	s8 =	simm.s32 $0xF800;
	v3 =	vadd.s32 v1, v3  }
0x121: {  	[hbm4b:s4+s2] =	stream.indirect_vreg.scatter [tilespmem:s8], [sflag:$0x2], $0x80, v4, vm0, $0xb8;
	[tilespmem:$0x18100] =	vst v63  }
0x122: {  	s1 =	simm.s32 $0x10000  }
0x123: {  	[hbm4b:s5+s2] =	stream.indirect_vreg.scatter [tilespmem:s1], [sflag:$0x2], $0x80, v4, vm0, $0xb8;
	[tilespmem:$0x18100] =	vst v63  }
0x124: {  	s8 =	simm.s32 $0x10800  }
0x125: {  	[hbm4b:s3+s2] =	stream.indirect_vreg.scatter [tilespmem:s8], [sflag:$0x2], $0x80, v3, vm0, $0xb8;
	[tilespmem:$0x18100] =	vst v63  }
0x126: {  	s1 =	simm.s32 $0x11000  }
0x127: {  	[hbm4b:s4+s2] =	stream.indirect_vreg.scatter [tilespmem:s1], [sflag:$0x2], $0x80, v3, vm0, $0xb8;
	[tilespmem:$0x18100] =	vst v63  }
0x128: {  	s8 =	simm.s32 $0x11800  }
0x129: {  	[hbm4b:s5+s2] =	stream.indirect_vreg.scatter [tilespmem:s8], [sflag:$0x2], $0x80, v3, vm0, $0xb8;
	[tilespmem:$0x18100] =	vst v63  }
0x12a: {  	v3 =	vld [tilespmem:$0x180E0];
	_ =	sdelay $0x4  }
0x12b: {  	v62 =	vshrl.u32 v3, $0x3  }
0x12c: {  	v4 =	vmul.u32 $0x30, v62  }
0x12d: {  	v3 =	vand.u32 $0x7, v3  }
0x12e: {  	v3 =	vor.u32 v3, v4  }
0x12f: {  	v4 =	vperm.xlane v3, v0;
	_ =	sdelay $0x1  }
0x130: {  	v4 =	vadd.s32 v1, v4;
	_ =	sdelay $0x3  }
0x131: {  	s1 =	simm.s32 $0x12000;
	v3 =	vperm.xlane v3, v2  }
0x132: {  	[hbm4b:s3+s2] =	stream.indirect_vreg.scatter [tilespmem:s1], [sflag:$0x2], $0x80, v4, vm0, $0xb8;
	[tilespmem:$0x18100] =	vst v63  }
0x133: {  	s8 =	simm.s32 $0x12800;
	v3 =	vadd.s32 v1, v3  }
0x134: {  	[hbm4b:s4+s2] =	stream.indirect_vreg.scatter [tilespmem:s8], [sflag:$0x2], $0x80, v4, vm0, $0xb8;
	[tilespmem:$0x18100] =	vst v63  }
0x135: {  	s1 =	simm.s32 $0x13000  }
0x136: {  	[hbm4b:s5+s2] =	stream.indirect_vreg.scatter [tilespmem:s1], [sflag:$0x2], $0x80, v4, vm0, $0xb8;
	[tilespmem:$0x18100] =	vst v63  }
0x137: {  	s8 =	simm.s32 $0x13800  }
0x138: {  	[hbm4b:s3+s2] =	stream.indirect_vreg.scatter [tilespmem:s8], [sflag:$0x2], $0x80, v3, vm0, $0xb8;
	[tilespmem:$0x18100] =	vst v63  }
0x139: {  	s1 =	simm.s32 $0x14000  }
0x13a: {  	[hbm4b:s4+s2] =	stream.indirect_vreg.scatter [tilespmem:s1], [sflag:$0x2], $0x80, v3, vm0, $0xb8;
	[tilespmem:$0x18100] =	vst v63  }
0x13b: {  	s8 =	simm.s32 $0x14800  }
0x13c: {  	[hbm4b:s5+s2] =	stream.indirect_vreg.scatter [tilespmem:s8], [sflag:$0x2], $0x80, v3, vm0, $0xb8;
	[tilespmem:$0x18100] =	vst v63  }
0x13d: {  	v3 =	vld [tilespmem:$0x180F0];
	_ =	sdelay $0x4  }
0x13e: {  	v63 =	vshrl.u32 v3, $0x3  }
0x13f: {  	v4 =	vmul.u32 $0x30, v63  }
0x140: {  	v3 =	vand.u32 $0x7, v3  }
0x141: {  	v3 =	vor.u32 v3, v4  }
0x142: {  	v4 =	vperm.xlane v3, v0;
	_ =	sdelay $0x1  }
0x143: {  	v4 =	vadd.s32 v1, v4;
	_ =	sdelay $0x3  }
0x144: {  	s1 =	simm.s32 $0x15000;
	v3 =	vperm.xlane v3, v2  }
0x145: {  	[hbm4b:s3+s2] =	stream.indirect_vreg.scatter [tilespmem:s1], [sflag:$0x2], $0x80, v4, vm0, $0xb8;
	[tilespmem:$0x18100] =	vst v63  }
0x146: {  	s8 =	simm.s32 $0x15800;
	v3 =	vadd.s32 v1, v3  }
0x147: {  	[hbm4b:s4+s2] =	stream.indirect_vreg.scatter [tilespmem:s8], [sflag:$0x2], $0x80, v4, vm0, $0xb8;
	[tilespmem:$0x18100] =	vst v63  }
0x148: {  	s1 =	simm.s32 $0x16000  }
0x149: {  	[hbm4b:s5+s2] =	stream.indirect_vreg.scatter [tilespmem:s1], [sflag:$0x2], $0x80, v4, vm0, $0xb8;
	[tilespmem:$0x18100] =	vst v63  }
0x14a: {  	s8 =	simm.s32 $0x16800  }
0x14b: {  	[hbm4b:s3+s2] =	stream.indirect_vreg.scatter [tilespmem:s8], [sflag:$0x2], $0x80, v3, vm0, $0xb8;
	[tilespmem:$0x18100] =	vst v63  }
0x14c: {  	s1 =	simm.s32 $0x17000  }
0x14d: {  	[hbm4b:s4+s2] =	stream.indirect_vreg.scatter [tilespmem:s1], [sflag:$0x2], $0x80, v3, vm0, $0xb8;
	[tilespmem:$0x18100] =	vst v63  }
0x14e: {  	s8 =	simm.s32 $0x17800;
	s1 =	simm.s32 $0x1  }
0x14f: {  	[hbm4b:s5+s2] =	stream.indirect_vreg.scatter [tilespmem:s8], [sflag:$0x2], $0x80, v3, vm0, $0xb8;
	[tilespmem:$0x18100] =	vst v63  }
0x150: {  	p0 =	sne.s32 s6, $0x1;
	_ =	swait.ge [sflag:s1], $0x18000  }
.Ltmp0:
0x151: {  	[sflag:s1] =	ssyncset.done $0x0;
	(pc) =	sbr.rel @p0 .LBB2_1-.Ltmp0, $4  }
0x152: {  	s8 =	simm.s32 $0x2;
	[sflag:s1] =	ssyncadd.s32 $0xFFFE8000  }
0x153: {  	_ =	swait.ge [sflag:s8], $0x18000  }
0x154: {  	[sflag:s8] =	ssyncset.done $0x0  }
0x155: {  	s6 =	sadd.s32 $0xFFFFFFFF, s6;
	[sflag:s8] =	ssyncadd.s32 $0xFFFE8000  }
0x156: {  	_ =	sfence.sel $0x180000  }
0x157: {  	[bflag:$0x0] =	sbarrier.arrive $0xFFFF  }
0x158: {  	_ =	strace $0x90000047  }
0x159: {  	s0 =	stileid.u32;
	[bflag:$0x2] =	sbarrier.arrive $0xFFFF  }
0x15a: {  	p0 =	sne.s32 s0, $0x0;
	s0 =	rddreg [dreg:$0x2]  }
0x15b: {  	s0 =	sadd.s32 @!p0 $0x100000, s0  }
0x15c: {  	[sflag:s0] =	ssyncadd.tile.s32 @!p0 $0x1;
	_ =	shalt  }
.Lfunc_end2:
_tile_overlayer_lowered:
.L_overlay_start_2:
0x15d: {  	(tag) =	ssettag $0x2  }
0x15e: {  	s0 =	rddreg [dreg:$0x0];
	s2 =	stileid.u32  }
0x15f: {  	s1 =	rddreg [dreg:$0x1];
	p0 =	sne.s32 s2, $0x0  }
0x160: {  	s3 =	rddreg [dreg:$0x2];
	[bflag:$0x3] =	sbarrier.arrive $0xFFFF;
	s2 =	simm.s32 @!p0 $0x1C03  }
0x161: {  	[timem:s3], [sflag:s2] =	dma.local @!p0 [hbm:s0], s1  }
0x162: {  	s0 =	simm.s32 @!p0 $0x3  }
0x163: {  	_ =	swait.ge @!p0 [sflag:s0], s1  }
0x164: {  	s1 =	ssub.s32 @!p0 $0x0, s1;
	[sflag:s0] =	ssyncset.done @!p0 $0x0  }
0x165: {  	[sflag:s0] =	ssyncadd.s32 @!p0 s1  }
0x166: {  	[bflag:$0x3] =	sbarrier.arrive $0xFFFF  }
0x167: {  	_ =	shalt  }

</sc_bundles>
